<compile_context>
chip_gen: v7x
topology: tpu7x:2x2x1
jax: 0.10.2.dev20260603
libtpu: 0.0.44.dev20260713+nightly
codegen_flags: <defaults>
</compile_context>

<pallas_src>
import functools

import jax
import jax.numpy as jnp
from jax import lax
from jax.experimental import pallas as pl
from jax.experimental.pallas import tpu as pltpu
from jax.experimental.pallas import tpu_sc as plsc

NEGINF = -1e9
B, XL, YL, S = 16, 128, 128, 3
LPAD = 144

_BASE_TRANS = [
    [0.5, -5.0, -5.0, NEGINF, 0.0],
    [0.0, -1.0, -2.0, NEGINF, NEGINF],
    [0.0, NEGINF, -1.0, NEGINF, NEGINF],
    [0.0, NEGINF, NEGINF, 0.0, NEGINF],
    [NEGINF, NEGINF, NEGINF, NEGINF, 0.0],
]


def _dp_body(obs_ref, ktr_ref, mx_ref, my_ref, out_ref):
    k00 = ktr_ref[0, 0]
    k10 = ktr_ref[1, 0]
    k20 = ktr_ref[2, 0]
    k30 = ktr_ref[3, 0]
    k01 = ktr_ref[0, 1]
    k11 = ktr_ref[1, 1]
    k21 = ktr_ref[2, 1]
    k02 = ktr_ref[0, 2]
    k12 = ktr_ref[1, 2]
    k22 = ktr_ref[2, 2]
    k04 = ktr_ref[0, 4]
    k14 = ktr_ref[1, 4]
    k24 = ktr_ref[2, 4]

    lane = lax.broadcasted_iota(jnp.int32, (B, YL), 1)
    mx = mx_ref[:, :]
    my = my_ref[:, :]
    hitlane = lane == (my - 1)

    def rotr(x, d, fill):
        y = jnp.roll(x, d, axis=1)
        return jnp.where(lane < d, fill, y)

    def body(i, carry):
        pm, pix, piy, rmax, logsc, am, aix, aiy, ar = carry
        s = 1.0 / rmax
        logsc = logsc - jnp.log(rmax)
        pm = pm * s
        pix = pix * s
        piy = piy * s
        eob0 = jnp.exp(obs_ref[0, i])
        eob1 = jnp.exp(obs_ref[1, i])
        eob2 = jnp.exp(obs_ref[2, i])

        dm = rotr(pm, 1, 0.0)
        dix = rotr(pix, 1, 0.0)
        diy = rotr(piy, 1, 0.0)
        head = jnp.where((i == 0) & (lane == 0), k30, 0.0)
        em = eob0 * (dm * k00 + dix * k10 + diy * k20 + head)
        eix = eob1 * (pm * k01 + pix * k11 + piy * k21)

        bv = eob2 * (rotr(em, 1, 0.0) * k02 + rotr(eix, 1, 0.0) * k12)
        av = eob2 * k22
        for d in (1, 2, 4, 8, 16, 32, 64):
            bv = av * rotr(bv, d, 0.0) + bv
            av = av * rotr(av, d, 1.0)
        eiy = bv

        rowhit = jnp.broadcast_to(i == (mx - 1), (B, YL))
        hit = hitlane & rowhit
        am = am + jnp.where(hit, em, 0.0)
        aix = aix + jnp.where(hit, eix, 0.0)
        aiy = aiy + jnp.where(hit, eiy, 0.0)
        ar = ar + jnp.where(rowhit, logsc, 0.0)
        nmax = jnp.broadcast_to(
            jnp.max(jnp.maximum(jnp.maximum(em, eix), eiy),
                    axis=1, keepdims=True), (B, YL))
        return (em, eix, eiy, nmax, logsc, am, aix, aiy, ar)

    zero = obs_ref[0, 0] * 0.0
    ones = zero + 1.0
    _, _, _, _, _, am, aix, aiy, ar = lax.fori_loop(
        0, XL, body, (zero, zero, zero, ones, zero, zero, zero, zero, zero))

    tot = (jnp.sum(am, axis=1, keepdims=True) * k04
           + jnp.sum(aix, axis=1, keepdims=True) * k14
           + jnp.sum(aiy, axis=1, keepdims=True) * k24)
    out_ref[:, :] = jnp.log(tot) - ar[:, 0:1]


def _dp_call(obs_t, ktrans, mx2, my2):
    return pl.pallas_call(
        _dp_body,
        out_shape=jax.ShapeDtypeStruct((B, 1), jnp.float32),
        in_specs=[
            pl.BlockSpec(memory_space=pltpu.VMEM),
            pl.BlockSpec(memory_space=pltpu.SMEM),
            pl.BlockSpec(memory_space=pltpu.VMEM),
            pl.BlockSpec(memory_space=pltpu.VMEM),
        ],
        out_specs=pl.BlockSpec(memory_space=pltpu.VMEM),
    )(obs_t, ktrans, mx2, my2)


def _score_call(ax, ay, asv, asn, obs_flat, tr8):
    mesh = plsc.VectorSubcoreMesh(
        core_axis_name="c", subcore_axis_name="s", num_cores=1)

    @functools.partial(
        pl.kernel,
        mesh=mesh,
        out_type=jax.ShapeDtypeStruct((B, 16), jnp.float32),
        scratch_types=[
            pltpu.VMEM((LPAD,), jnp.int32),
            pltpu.VMEM((LPAD,), jnp.int32),
            pltpu.VMEM((LPAD,), jnp.int32),
            pltpu.VMEM((LPAD,), jnp.int32),
            pltpu.VMEM((LPAD,), jnp.float32),
            pltpu.VMEM((LPAD,), jnp.float32),
            pltpu.VMEM((16,), jnp.float32),
            pltpu.SemaphoreType.DMA,
        ],
    )
    def score(ax_hbm, ay_hbm, as_hbm, asn_hbm, obs_hbm, tr_hbm, out_hbm,
              ax_v, ay_v, as_v, asn_v, gv_v, tv_v, acc_v, sem):
        cid = lax.axis_index("c")
        sid = lax.axis_index("s")
        wid = sid + cid * 16

        @pl.when(wid < B)
        def _():
            b = wid
            pltpu.sync_copy(ax_hbm.at[b], ax_v)
            pltpu.sync_copy(ay_hbm.at[b], ay_v)
            pltpu.sync_copy(as_hbm.at[b], as_v)
            pltpu.sync_copy(asn_hbm.at[b], asn_v)
            nchunk = LPAD // 16
            cps = []
            for chunk in range(nchunk):
                base = chunk * 16
                lidx = lax.iota(jnp.int32, 16) + base
                x = ax_v[pl.ds(base, 16)]
                y = ay_v[pl.ds(base, 16)]
                sv = as_v[pl.ds(base, 16)]
                snv = asn_v[pl.ds(base, 16)]
                valid = (x > 0) & (y > 0) & (sv < 3) & (lidx < 140)
                f = (x - 1) * (YL * S) + (y - 1) * S + sv
                f = b * (XL * YL * S) + jnp.where(valid, f, 0)
                cps.append(pltpu.async_copy(
                    obs_hbm.at[f], gv_v.at[pl.ds(base, 16)], sem))
                pvalid = lidx < 139
                tf = jnp.where(pvalid, sv * 8 + snv, 0)
                cps.append(pltpu.async_copy(
                    tr_hbm.at[tf], tv_v.at[pl.ds(base, 16)], sem))
            for cp in cps:
                cp.wait()
            acc = jnp.zeros((16,), jnp.float32)
            for chunk in range(nchunk):
                base = chunk * 16
                lidx = lax.iota(jnp.int32, 16) + base
                x = ax_v[pl.ds(base, 16)]
                y = ay_v[pl.ds(base, 16)]
                sv = as_v[pl.ds(base, 16)]
                valid = (x > 0) & (y > 0) & (sv < 3) & (lidx < 140)
                acc = acc + jnp.where(valid, gv_v[pl.ds(base, 16)], 0.0)
                pvalid = lidx < 139
                acc = acc + jnp.where(pvalid, tv_v[pl.ds(base, 16)], 0.0)
            acc_v[...] = acc
            pltpu.sync_copy(acc_v, out_hbm.at[b])

    return score(ax, ay, asv, asn, obs_flat, tr8)


def kernel(observations, P, alignments, maskX, maskY):
    trans = jnp.asarray(_BASE_TRANS, jnp.float32) + P.astype(jnp.float32)

    al = alignments.astype(jnp.int32)
    ax = jnp.pad(al[:, :, 0], ((0, 0), (0, LPAD - al.shape[1])))
    ay = jnp.pad(al[:, :, 1], ((0, 0), (0, LPAD - al.shape[1])))
    asv = jnp.pad(al[:, :, 2], ((0, 0), (0, LPAD - al.shape[1])))
    asn = jnp.pad(al[:, 1:, 2], ((0, 0), (0, LPAD - al.shape[1] + 1)))
    obs_flat = observations.reshape(B * XL * YL * S)
    tr8 = jnp.zeros((8, 8), jnp.float32).at[:5, :5].set(trans).reshape(64)
    ali = _score_call(ax, ay, asv, asn, obs_flat, tr8)

    obs_t = jnp.transpose(observations, (3, 1, 0, 2))
    mx2 = maskX.astype(jnp.int32).reshape(B, 1)
    my2 = maskY.astype(jnp.int32).reshape(B, 1)
    zf = _dp_call(obs_t, jnp.exp(trans), mx2, my2)

    return zf[:, 0] - jnp.sum(ali, axis=1)

# --- scband reference (transcript-rebuilt; emitter-appended) ---
"""Pipeline reference for scband-crfloss-74474732913014 (READ-ONLY COPY).

The authoritative reference and input builder live on the scoring server;
editing this copy changes nothing except your own understanding.
"""

import jax, jax.numpy as jnp
import numpy as np

NEG = -1e9


def _lse(x):
    return jax.nn.logsumexp(x, axis=-1)


def _base_transitions():
    # faithful to initialize_transitions(), with -inf replaced by -1e9 for grad safety
    return jnp.array([
        [0.5, -5.0, -5.0, NEG, 0.0],
        [0.0, -1.0, -2.0, NEG, NEG],
        [0.0, NEG, -1.0, NEG, NEG],
        [0.0, NEG, NEG, 0.0, NEG],
        [NEG, NEG, NEG, NEG, 0.0]], dtype=jnp.float32)


def _crf_nll(observations, P, alignments, maskX, maskY):
    B, Xl, Yl, S = observations.shape
    trans = _base_transitions() + P
    t_in = trans[:4, :3]   # from {M, IX, IY, head} into {M, IX, IY}
    t_out = trans[:3, 4]   # from {M, IX, IY} into tail
    # alpha DP over the (X+1)x(Y+1) alignment lattice (crf_batchforward equivalent)
    prev_row0 = jnp.full((B, Yl + 1, 4), NEG, dtype=jnp.float32)
    prev_row0 = prev_row0.at[:, 0, 3].set(0.0)  # head state at origin (0,0)

    def outer(prev_row, obs_row):
        diag = jnp.swapaxes(prev_row[:, :-1, :], 0, 1)  # [Yl, B, 4]
        up = jnp.swapaxes(prev_row[:, 1:, :], 0, 1)     # [Yl, B, 4]
        o = jnp.swapaxes(obs_row, 0, 1)                 # [Yl, B, 3]

        def inner(left, inp):
            d, u, ob = inp
            m = ob[:, 0] + _lse(d + t_in[:, 0])
            ix = ob[:, 1] + _lse(u + t_in[:, 1])
            la = jnp.concatenate([left, jnp.full((left.shape[0], 1), NEG, dtype=left.dtype)], axis=-1)
            iy = ob[:, 2] + _lse(la + t_in[:, 2])
            cell = jnp.stack([m, ix, iy], axis=-1)
            return cell, cell

        left0 = jnp.full((obs_row.shape[0], 3), NEG, dtype=jnp.float32)
        _, cells = jax.lax.scan(inner, left0, (diag, up, o))
        row_inner = jnp.swapaxes(cells, 0, 1)  # [B, Yl, 3]
        new_row = jnp.concatenate([jnp.full((row_inner.shape[0], 1, 3), NEG, dtype=jnp.float32), row_inner], axis=1)
        new_row = jnp.concatenate([new_row, jnp.full((new_row.shape[0], new_row.shape[1], 1), NEG, dtype=jnp.float32)], axis=-1)
        return new_row, row_inner

    _, alpha_rows = jax.lax.scan(outer, prev_row0, jnp.swapaxes(observations, 0, 1))
    alpha = jnp.swapaxes(alpha_rows, 0, 1)  # [B, Xl, Yl, 3]

    b_idx = jnp.arange(B)
    end_alpha = alpha[b_idx, maskX - 1, maskY - 1, :]
    Zf = _lse(end_alpha + t_out)
    partition = Zf  # Zb == Zf analytically, so (Zf + Zb)/2 == Zf

    # BatchScoring
    new_obs = jnp.zeros((B, Xl + 1, Yl + 1, S + 3), dtype=jnp.float32).at[:, 1:, 1:, :S].set(observations)
    x = alignments[:, :, 0]
    y = alignments[:, :, 1]
    s = alignments[:, :, 2]
    obsScore = new_obs[b_idx[:, None], x, y, s]
    new_trans = jnp.zeros((S + 3, S + 3), dtype=jnp.float32).at[:S + 2, :S + 2].set(trans)
    transScore = new_trans[s[:, :-1], s[:, 1:]]
    aliScore = jnp.sum(obsScore, axis=-1) + jnp.sum(transScore, axis=-1)
    return partition - aliScore


def setup_inputs(seed: int = 0):
    key = jax.random.key(seed)
    B, Xl, Yl, L = 16, 128, 128, 140
    k1, k2 = jax.random.split(key, 2)
    observations = jax.random.normal(k1, (B, Xl, Yl, 3), dtype=jnp.float32)
    rng = np.random.default_rng(0)
    mX = rng.integers(96, 129, size=B)
    mY = rng.integers(96, 129, size=B)
    align = np.zeros((B, L, 3), dtype=np.int64)
    for b in range(B):
        mx, my = int(mX[b]), int(mY[b])
        path = [(0, 0, 3), (1, 1, 0)]  # head, then first match
        xx, yy = 1, 1
        d = mx - my
        if d > 0:
            for _ in range(d):
                xx += 1
                path.append((xx, yy, 1))
        elif d < 0:
            for _ in range(-d):
                yy += 1
                path.append((xx, yy, 2))
        while xx < mx and yy < my:
            xx += 1
            yy += 1
            path.append((xx, yy, 0))
        arr = np.array(path, dtype=np.int64)
        align[b, :len(path)] = arr
        align[b, len(path):] = np.array([mx, my, 4], dtype=np.int64)  # tail padding
    P = 0.01 * jax.random.normal(k2, (5, 5), dtype=jnp.float32)
    return {
        "observations": observations,
        "P": P,
        "alignments": jnp.asarray(align),
        "maskX": jnp.asarray(mX.astype(np.int64)),
        "maskY": jnp.asarray(mY.astype(np.int64)),
    }


def reference(observations, P, alignments, maskX, maskY):
    return _crf_nll(observations, P, alignments, maskX, maskY)

if __name__ == "__main__":
    import jax
    _d = setup_inputs()
    print(jax.jit(kernel)(*tuple(_d.values())))

</pallas_src>

<mosaic_0001>
#map = affine_map<(d0, d1) -> (0, 0)>
#map1 = affine_map<(d0, d1) -> (0)>
module attributes {stable_mosaic.version = 14 : i64} {
  func.func @score(%arg0: i32, %arg1: i32, %arg2: memref<16x144xi32, #tpu.memory_space<hbm>>, %arg3: memref<16x144xi32, #tpu.memory_space<hbm>>, %arg4: memref<16x144xi32, #tpu.memory_space<hbm>>, %arg5: memref<16x144xi32, #tpu.memory_space<hbm>>, %arg6: memref<786432xf32, #tpu.memory_space<hbm>>, %arg7: memref<64xf32, #tpu.memory_space<hbm>>, %arg8: memref<16x16xf32, #tpu.memory_space<hbm>>, %arg9: memref<144xi32, #tpu.memory_space<vmem>>, %arg10: memref<144xi32, #tpu.memory_space<vmem>>, %arg11: memref<144xi32, #tpu.memory_space<vmem>>, %arg12: memref<144xi32, #tpu.memory_space<vmem>>, %arg13: memref<144xf32, #tpu.memory_space<vmem>>, %arg14: memref<144xf32, #tpu.memory_space<vmem>>, %arg15: memref<16xf32, #tpu.memory_space<vmem>>, %arg16: memref<!tpu.dma_semaphore, #tpu.memory_space<semaphore_mem>>) attributes {dimension_semantics = [#tpu.dimension_semantics<core_parallel>, #tpu.dimension_semantics<subcore_parallel>], iteration_bounds = array<i64: 1, 16>, scalar_prefetch = 0 : i64, scratch_operands = 8 : i64, tpu.core_type = #tpu.core_type<sc_vector_subcore>, window_params = [{transform_indices = #map}, {transform_indices = #map}, {transform_indices = #map}, {transform_indices = #map}, {transform_indices = #map1}, {transform_indices = #map1}, {transform_indices = #map}]} {
    %mul3A = arith.constant 16 : i32
    %mul3A_0 = arith.muli %arg0, %mul3A : i32
    %add3A = arith.addi %arg1, %mul3A_0 : i32
    %lt3A = arith.constant 16 : i32
    %lt3A_1 = arith.cmpi slt, %add3A, %lt3A : i32
    %convert_element_type3A = arith.extui %lt3A_1 : i1 to i32
    %cond3A = arith.constant 0 : i32
    %cond3A_2 = arith.cmpi ne, %convert_element_type3A, %cond3A : i32
    scf.if %cond3A_2 {
      "tpu.region"() ({
        %run_scoped3A = tpu.sem_alloc : memref<!tpu.dma_semaphore, #tpu.memory_space<semaphore_mem>>
        %dma_start3A_1105 = arith.constant 0 : i32
        %dma_start3A_1106 = tpu.memref_slice %arg2[%add3A, %dma_start3A_1105] : memref<16x144xi32, #tpu.memory_space<hbm>> -> memref<1x144xi32, #tpu.memory_space<hbm>>
        %dma_start3A_1107 = tpu.memref_squeeze %dma_start3A_1106 : memref<1x144xi32, #tpu.memory_space<hbm>> -> memref<144xi32, #tpu.memory_space<hbm>>
        %dma_start3A_1108 = arith.constant 0 : i32
        %dma_start3A_1109 = tpu.memref_slice %arg2[%add3A, %dma_start3A_1108] : memref<16x144xi32, #tpu.memory_space<hbm>> -> memref<1x144xi32, #tpu.memory_space<hbm>>
        %dma_start3A_1110 = tpu.memref_squeeze %dma_start3A_1109 : memref<1x144xi32, #tpu.memory_space<hbm>> -> memref<144xi32, #tpu.memory_space<hbm>>
        tpu.enqueue_dma source(%dma_start3A_1110 : memref<144xi32, #tpu.memory_space<hbm>>) target(%arg9 : memref<144xi32, #tpu.memory_space<vmem>>) target_semaphore(%run_scoped3A : memref<!tpu.dma_semaphore, #tpu.memory_space<semaphore_mem>>)
        %dma_wait3A_1111 = arith.constant 0 : i32
        %dma_wait3A_1112 = tpu.memref_slice %arg2[%add3A, %dma_wait3A_1111] : memref<16x144xi32, #tpu.memory_space<hbm>> -> memref<1x144xi32, #tpu.memory_space<hbm>>
        %dma_wait3A_1113 = tpu.memref_squeeze %dma_wait3A_1112 : memref<1x144xi32, #tpu.memory_space<hbm>> -> memref<144xi32, #tpu.memory_space<hbm>>
        %dma_wait3A_1114 = arith.constant 0 : i32
        %dma_wait3A_1115 = tpu.memref_slice %arg2[%add3A, %dma_wait3A_1114] : memref<16x144xi32, #tpu.memory_space<hbm>> -> memref<1x144xi32, #tpu.memory_space<hbm>>
        %dma_wait3A_1116 = tpu.memref_squeeze %dma_wait3A_1115 : memref<1x144xi32, #tpu.memory_space<hbm>> -> memref<144xi32, #tpu.memory_space<hbm>>
        tpu.wait_dma2 semaphore(%run_scoped3A : memref<!tpu.dma_semaphore, #tpu.memory_space<semaphore_mem>>) src(%dma_wait3A_1116 : memref<144xi32, #tpu.memory_space<hbm>>) dst(%arg9 : memref<144xi32, #tpu.memory_space<vmem>>)
        tpu.yield
      }) : () -> ()
      "tpu.region"() ({
        %run_scoped3A = tpu.sem_alloc : memref<!tpu.dma_semaphore, #tpu.memory_space<semaphore_mem>>
        %dma_start3A_1105 = arith.constant 0 : i32
        %dma_start3A_1106 = tpu.memref_slice %arg3[%add3A, %dma_start3A_1105] : memref<16x144xi32, #tpu.memory_space<hbm>> -> memref<1x144xi32, #tpu.memory_space<hbm>>
        %dma_start3A_1107 = tpu.memref_squeeze %dma_start3A_1106 : memref<1x144xi32, #tpu.memory_space<hbm>> -> memref<144xi32, #tpu.memory_space<hbm>>
        %dma_start3A_1108 = arith.constant 0 : i32
        %dma_start3A_1109 = tpu.memref_slice %arg3[%add3A, %dma_start3A_1108] : memref<16x144xi32, #tpu.memory_space<hbm>> -> memref<1x144xi32, #tpu.memory_space<hbm>>
        %dma_start3A_1110 = tpu.memref_squeeze %dma_start3A_1109 : memref<1x144xi32, #tpu.memory_space<hbm>> -> memref<144xi32, #tpu.memory_space<hbm>>
        tpu.enqueue_dma source(%dma_start3A_1110 : memref<144xi32, #tpu.memory_space<hbm>>) target(%arg10 : memref<144xi32, #tpu.memory_space<vmem>>) target_semaphore(%run_scoped3A : memref<!tpu.dma_semaphore, #tpu.memory_space<semaphore_mem>>)
        %dma_wait3A_1111 = arith.constant 0 : i32
        %dma_wait3A_1112 = tpu.memref_slice %arg3[%add3A, %dma_wait3A_1111] : memref<16x144xi32, #tpu.memory_space<hbm>> -> memref<1x144xi32, #tpu.memory_space<hbm>>
        %dma_wait3A_1113 = tpu.memref_squeeze %dma_wait3A_1112 : memref<1x144xi32, #tpu.memory_space<hbm>> -> memref<144xi32, #tpu.memory_space<hbm>>
        %dma_wait3A_1114 = arith.constant 0 : i32
        %dma_wait3A_1115 = tpu.memref_slice %arg3[%add3A, %dma_wait3A_1114] : memref<16x144xi32, #tpu.memory_space<hbm>> -> memref<1x144xi32, #tpu.memory_space<hbm>>
        %dma_wait3A_1116 = tpu.memref_squeeze %dma_wait3A_1115 : memref<1x144xi32, #tpu.memory_space<hbm>> -> memref<144xi32, #tpu.memory_space<hbm>>
        tpu.wait_dma2 semaphore(%run_scoped3A : memref<!tpu.dma_semaphore, #tpu.memory_space<semaphore_mem>>) src(%dma_wait3A_1116 : memref<144xi32, #tpu.memory_space<hbm>>) dst(%arg10 : memref<144xi32, #tpu.memory_space<vmem>>)
        tpu.yield
      }) : () -> ()
      "tpu.region"() ({
        %run_scoped3A = tpu.sem_alloc : memref<!tpu.dma_semaphore, #tpu.memory_space<semaphore_mem>>
        %dma_start3A_1105 = arith.constant 0 : i32
        %dma_start3A_1106 = tpu.memref_slice %arg4[%add3A, %dma_start3A_1105] : memref<16x144xi32, #tpu.memory_space<hbm>> -> memref<1x144xi32, #tpu.memory_space<hbm>>
        %dma_start3A_1107 = tpu.memref_squeeze %dma_start3A_1106 : memref<1x144xi32, #tpu.memory_space<hbm>> -> memref<144xi32, #tpu.memory_space<hbm>>
        %dma_start3A_1108 = arith.constant 0 : i32
        %dma_start3A_1109 = tpu.memref_slice %arg4[%add3A, %dma_start3A_1108] : memref<16x144xi32, #tpu.memory_space<hbm>> -> memref<1x144xi32, #tpu.memory_space<hbm>>
        %dma_start3A_1110 = tpu.memref_squeeze %dma_start3A_1109 : memref<1x144xi32, #tpu.memory_space<hbm>> -> memref<144xi32, #tpu.memory_space<hbm>>
        tpu.enqueue_dma source(%dma_start3A_1110 : memref<144xi32, #tpu.memory_space<hbm>>) target(%arg11 : memref<144xi32, #tpu.memory_space<vmem>>) target_semaphore(%run_scoped3A : memref<!tpu.dma_semaphore, #tpu.memory_space<semaphore_mem>>)
        %dma_wait3A_1111 = arith.constant 0 : i32
        %dma_wait3A_1112 = tpu.memref_slice %arg4[%add3A, %dma_wait3A_1111] : memref<16x144xi32, #tpu.memory_space<hbm>> -> memref<1x144xi32, #tpu.memory_space<hbm>>
        %dma_wait3A_1113 = tpu.memref_squeeze %dma_wait3A_1112 : memref<1x144xi32, #tpu.memory_space<hbm>> -> memref<144xi32, #tpu.memory_space<hbm>>
        %dma_wait3A_1114 = arith.constant 0 : i32
        %dma_wait3A_1115 = tpu.memref_slice %arg4[%add3A, %dma_wait3A_1114] : memref<16x144xi32, #tpu.memory_space<hbm>> -> memref<1x144xi32, #tpu.memory_space<hbm>>
        %dma_wait3A_1116 = tpu.memref_squeeze %dma_wait3A_1115 : memref<1x144xi32, #tpu.memory_space<hbm>> -> memref<144xi32, #tpu.memory_space<hbm>>
        tpu.wait_dma2 semaphore(%run_scoped3A : memref<!tpu.dma_semaphore, #tpu.memory_space<semaphore_mem>>) src(%dma_wait3A_1116 : memref<144xi32, #tpu.memory_space<hbm>>) dst(%arg11 : memref<144xi32, #tpu.memory_space<vmem>>)
        tpu.yield
      }) : () -> ()
      "tpu.region"() ({
        %run_scoped3A = tpu.sem_alloc : memref<!tpu.dma_semaphore, #tpu.memory_space<semaphore_mem>>
        %dma_start3A_1105 = arith.constant 0 : i32
        %dma_start3A_1106 = tpu.memref_slice %arg5[%add3A, %dma_start3A_1105] : memref<16x144xi32, #tpu.memory_space<hbm>> -> memref<1x144xi32, #tpu.memory_space<hbm>>
        %dma_start3A_1107 = tpu.memref_squeeze %dma_start3A_1106 : memref<1x144xi32, #tpu.memory_space<hbm>> -> memref<144xi32, #tpu.memory_space<hbm>>
        %dma_start3A_1108 = arith.constant 0 : i32
        %dma_start3A_1109 = tpu.memref_slice %arg5[%add3A, %dma_start3A_1108] : memref<16x144xi32, #tpu.memory_space<hbm>> -> memref<1x144xi32, #tpu.memory_space<hbm>>
        %dma_start3A_1110 = tpu.memref_squeeze %dma_start3A_1109 : memref<1x144xi32, #tpu.memory_space<hbm>> -> memref<144xi32, #tpu.memory_space<hbm>>
        tpu.enqueue_dma source(%dma_start3A_1110 : memref<144xi32, #tpu.memory_space<hbm>>) target(%arg12 : memref<144xi32, #tpu.memory_space<vmem>>) target_semaphore(%run_scoped3A : memref<!tpu.dma_semaphore, #tpu.memory_space<semaphore_mem>>)
        %dma_wait3A_1111 = arith.constant 0 : i32
        %dma_wait3A_1112 = tpu.memref_slice %arg5[%add3A, %dma_wait3A_1111] : memref<16x144xi32, #tpu.memory_space<hbm>> -> memref<1x144xi32, #tpu.memory_space<hbm>>
        %dma_wait3A_1113 = tpu.memref_squeeze %dma_wait3A_1112 : memref<1x144xi32, #tpu.memory_space<hbm>> -> memref<144xi32, #tpu.memory_space<hbm>>
        %dma_wait3A_1114 = arith.constant 0 : i32
        %dma_wait3A_1115 = tpu.memref_slice %arg5[%add3A, %dma_wait3A_1114] : memref<16x144xi32, #tpu.memory_space<hbm>> -> memref<1x144xi32, #tpu.memory_space<hbm>>
        %dma_wait3A_1116 = tpu.memref_squeeze %dma_wait3A_1115 : memref<1x144xi32, #tpu.memory_space<hbm>> -> memref<144xi32, #tpu.memory_space<hbm>>
        tpu.wait_dma2 semaphore(%run_scoped3A : memref<!tpu.dma_semaphore, #tpu.memory_space<semaphore_mem>>) src(%dma_wait3A_1116 : memref<144xi32, #tpu.memory_space<hbm>>) dst(%arg12 : memref<144xi32, #tpu.memory_space<vmem>>)
        tpu.yield
      }) : () -> ()
      %iota3A = tpu.iota {dimensions = array<i32: 0>} : vector<16xi32>
      %add3A_3 = arith.constant 0 : i32
      %add3A_4 = vector.broadcast %add3A_3 : i32 to vector<16xi32>
      %add3A_5 = arith.addi %iota3A, %add3A_4 : vector<16xi32>
      %get3A = arith.constant 0 : index
      %get3A_6 = tpu.vector_load %arg9[%get3A] {strides = array<i32>} : memref<144xi32, #tpu.memory_space<vmem>>, vector<16xi32>,
      %get3A_7 = vector.shape_cast %get3A_6 : vector<16xi32> to vector<16xi32>
      %get3A_8 = arith.constant 0 : index
      %get3A_9 = tpu.vector_load %arg10[%get3A_8] {strides = array<i32>} : memref<144xi32, #tpu.memory_space<vmem>>, vector<16xi32>,
      %get3A_10 = vector.shape_cast %get3A_9 : vector<16xi32> to vector<16xi32>
      %get3A_11 = arith.constant 0 : index
      %get3A_12 = tpu.vector_load %arg11[%get3A_11] {strides = array<i32>} : memref<144xi32, #tpu.memory_space<vmem>>, vector<16xi32>,
      %get3A_13 = vector.shape_cast %get3A_12 : vector<16xi32> to vector<16xi32>
      %get3A_14 = arith.constant 0 : index
      %get3A_15 = tpu.vector_load %arg12[%get3A_14] {strides = array<i32>} : memref<144xi32, #tpu.memory_space<vmem>>, vector<16xi32>,
      %get3A_16 = vector.shape_cast %get3A_15 : vector<16xi32> to vector<16xi32>
      %gt3A = arith.constant 0 : i32
      %gt3A_17 = vector.broadcast %gt3A : i32 to vector<16xi32>
      %gt3A_18 = arith.cmpi sgt, %get3A_7, %gt3A_17 : vector<16xi32>
      %gt3A_19 = arith.constant 0 : i32
      %gt3A_20 = vector.broadcast %gt3A_19 : i32 to vector<16xi32>
      %gt3A_21 = arith.cmpi sgt, %get3A_10, %gt3A_20 : vector<16xi32>
      %and3A = arith.andi %gt3A_18, %gt3A_21 : vector<16xi1>
      %lt3A_22 = arith.constant 3 : i32
      %lt3A_23 = vector.broadcast %lt3A_22 : i32 to vector<16xi32>
      %lt3A_24 = arith.cmpi slt, %get3A_13, %lt3A_23 : vector<16xi32>
      %and3A_25 = arith.andi %and3A, %lt3A_24 : vector<16xi1>
      %lt3A_26 = arith.constant 140 : i32
      %lt3A_27 = vector.broadcast %lt3A_26 : i32 to vector<16xi32>
      %lt3A_28 = arith.cmpi slt, %add3A_5, %lt3A_27 : vector<16xi32>
      %and3A_29 = arith.andi %and3A_25, %lt3A_28 : vector<16xi1>
      %sub3A = arith.constant 1 : i32
      %sub3A_30 = vector.broadcast %sub3A : i32 to vector<16xi32>
      %sub3A_31 = arith.subi %get3A_7, %sub3A_30 : vector<16xi32>
      %mul3A_32 = arith.constant 384 : i32
      %mul3A_33 = vector.broadcast %mul3A_32 : i32 to vector<16xi32>
      %mul3A_34 = arith.muli %sub3A_31, %mul3A_33 : vector<16xi32>
      %sub3A_35 = arith.constant 1 : i32
      %sub3A_36 = vector.broadcast %sub3A_35 : i32 to vector<16xi32>
      %sub3A_37 = arith.subi %get3A_10, %sub3A_36 : vector<16xi32>
      %mul3A_38 = arith.constant 3 : i32
      %mul3A_39 = vector.broadcast %mul3A_38 : i32 to vector<16xi32>
      %mul3A_40 = arith.muli %sub3A_37, %mul3A_39 : vector<16xi32>
      %add3A_41 = arith.addi %mul3A_34, %mul3A_40 : vector<16xi32>
      %add3A_42 = arith.addi %add3A_41, %get3A_13 : vector<16xi32>
      %mul3A_43 = arith.constant 49152 : i32
      %mul3A_44 = arith.muli %add3A, %mul3A_43 : i32
      %jit3A = arith.constant 0 : i32
      %broadcast_in_dim3A = vector.broadcast %jit3A : i32 to vector<16xi32>
      %select_n3A = arith.select %and3A_29, %add3A_42, %broadcast_in_dim3A : vector<16xi1>, vector<16xi32>
      %add3A_45 = vector.broadcast %mul3A_44 : i32 to vector<16xi32>
      %add3A_46 = arith.addi %add3A_45, %select_n3A : vector<16xi32>
      %dma_start3A = arith.constant 0 : i32
      %dma_start3A_47 = tpu.memref_slice %arg13[%dma_start3A] : memref<144xf32, #tpu.memory_space<vmem>> -> memref<16xf32, #tpu.memory_space<vmem>>
      %dma_start3A_48 = arith.constant 0 : i32
      %dma_start3A_49 = tpu.memref_slice %arg6[%dma_start3A_48] : memref<786432xf32, #tpu.memory_space<hbm>> -> memref<786432xf32, #tpu.memory_space<hbm>>
      tpu.enqueue_indirect_dma source(%dma_start3A_49 : memref<786432xf32, #tpu.memory_space<hbm>>) target(%dma_start3A_47 : memref<16xf32, #tpu.memory_space<vmem>>) offsets(%add3A_46 : vector<16xi32>) semaphore(%arg16 : memref<!tpu.dma_semaphore, #tpu.memory_space<semaphore_mem>>)
      %lt3A_50 = arith.constant 139 : i32
      %lt3A_51 = vector.broadcast %lt3A_50 : i32 to vector<16xi32>
      %lt3A_52 = arith.cmpi slt, %add3A_5, %lt3A_51 : vector<16xi32>
      %mul3A_53 = arith.constant 8 : i32
      %mul3A_54 = vector.broadcast %mul3A_53 : i32 to vector<16xi32>
      %mul3A_55 = arith.muli %get3A_13, %mul3A_54 : vector<16xi32>
      %add3A_56 = arith.addi %mul3A_55, %get3A_16 : vector<16xi32>
      %jit3A_57 = arith.constant 0 : i32
      %broadcast_in_dim3A_58 = vector.broadcast %jit3A_57 : i32 to vector<16xi32>
      %select_n3A_59 = arith.select %lt3A_52, %add3A_56, %broadcast_in_dim3A_58 : vector<16xi1>, vector<16xi32>
      %dma_start3A_60 = arith.constant 0 : i32
      %dma_start3A_61 = tpu.memref_slice %arg14[%dma_start3A_60] : memref<144xf32, #tpu.memory_space<vmem>> -> memref<16xf32, #tpu.memory_space<vmem>>
      %dma_start3A_62 = arith.constant 0 : i32
      %dma_start3A_63 = tpu.memref_slice %arg7[%dma_start3A_62] : memref<64xf32, #tpu.memory_space<hbm>> -> memref<64xf32, #tpu.memory_space<hbm>>
      tpu.enqueue_indirect_dma source(%dma_start3A_63 : memref<64xf32, #tpu.memory_space<hbm>>) target(%dma_start3A_61 : memref<16xf32, #tpu.memory_space<vmem>>) offsets(%select_n3A_59 : vector<16xi32>) semaphore(%arg16 : memref<!tpu.dma_semaphore, #tpu.memory_space<semaphore_mem>>)
      %iota3A_64 = tpu.iota {dimensions = array<i32: 0>} : vector<16xi32>
      %add3A_65 = arith.constant 16 : i32
      %add3A_66 = vector.broadcast %add3A_65 : i32 to vector<16xi32>
      %add3A_67 = arith.addi %iota3A_64, %add3A_66 : vector<16xi32>
      %get3A_68 = arith.constant 16 : index
      %get3A_69 = tpu.vector_load %arg9[%get3A_68] {strides = array<i32>} : memref<144xi32, #tpu.memory_space<vmem>>, vector<16xi32>,
      %get3A_70 = vector.shape_cast %get3A_69 : vector<16xi32> to vector<16xi32>
      %get3A_71 = arith.constant 16 : index
      %get3A_72 = tpu.vector_load %arg10[%get3A_71] {strides = array<i32>} : memref<144xi32, #tpu.memory_space<vmem>>, vector<16xi32>,
      %get3A_73 = vector.shape_cast %get3A_72 : vector<16xi32> to vector<16xi32>
      %get3A_74 = arith.constant 16 : index
      %get3A_75 = tpu.vector_load %arg11[%get3A_74] {strides = array<i32>} : memref<144xi32, #tpu.memory_space<vmem>>, vector<16xi32>,
      %get3A_76 = vector.shape_cast %get3A_75 : vector<16xi32> to vector<16xi32>
      %get3A_77 = arith.constant 16 : index
      %get3A_78 = tpu.vector_load %arg12[%get3A_77] {strides = array<i32>} : memref<144xi32, #tpu.memory_space<vmem>>, vector<16xi32>,
      %get3A_79 = vector.shape_cast %get3A_78 : vector<16xi32> to vector<16xi32>
      %gt3A_80 = arith.constant 0 : i32
      %gt3A_81 = vector.broadcast %gt3A_80 : i32 to vector<16xi32>
      %gt3A_82 = arith.cmpi sgt, %get3A_70, %gt3A_81 : vector<16xi32>
      %gt3A_83 = arith.constant 0 : i32
      %gt3A_84 = vector.broadcast %gt3A_83 : i32 to vector<16xi32>
      %gt3A_85 = arith.cmpi sgt, %get3A_73, %gt3A_84 : vector<16xi32>
      %and3A_86 = arith.andi %gt3A_82, %gt3A_85 : vector<16xi1>
      %lt3A_87 = arith.constant 3 : i32
      %lt3A_88 = vector.broadcast %lt3A_87 : i32 to vector<16xi32>
      %lt3A_89 = arith.cmpi slt, %get3A_76, %lt3A_88 : vector<16xi32>
      %and3A_90 = arith.andi %and3A_86, %lt3A_89 : vector<16xi1>
      %lt3A_91 = arith.constant 140 : i32
      %lt3A_92 = vector.broadcast %lt3A_91 : i32 to vector<16xi32>
      %lt3A_93 = arith.cmpi slt, %add3A_67, %lt3A_92 : vector<16xi32>
      %and3A_94 = arith.andi %and3A_90, %lt3A_93 : vector<16xi1>
      %sub3A_95 = arith.constant 1 : i32
      %sub3A_96 = vector.broadcast %sub3A_95 : i32 to vector<16xi32>
      %sub3A_97 = arith.subi %get3A_70, %sub3A_96 : vector<16xi32>
      %mul3A_98 = arith.constant 384 : i32
      %mul3A_99 = vector.broadcast %mul3A_98 : i32 to vector<16xi32>
      %mul3A_100 = arith.muli %sub3A_97, %mul3A_99 : vector<16xi32>
      %sub3A_101 = arith.constant 1 : i32
      %sub3A_102 = vector.broadcast %sub3A_101 : i32 to vector<16xi32>
      %sub3A_103 = arith.subi %get3A_73, %sub3A_102 : vector<16xi32>
      %mul3A_104 = arith.constant 3 : i32
      %mul3A_105 = vector.broadcast %mul3A_104 : i32 to vector<16xi32>
      %mul3A_106 = arith.muli %sub3A_103, %mul3A_105 : vector<16xi32>
      %add3A_107 = arith.addi %mul3A_100, %mul3A_106 : vector<16xi32>
      %add3A_108 = arith.addi %add3A_107, %get3A_76 : vector<16xi32>
      %mul3A_109 = arith.constant 49152 : i32
      %mul3A_110 = arith.muli %add3A, %mul3A_109 : i32
      %jit3A_111 = arith.constant 0 : i32
      %broadcast_in_dim3A_112 = vector.broadcast %jit3A_111 : i32 to vector<16xi32>
      %select_n3A_113 = arith.select %and3A_94, %add3A_108, %broadcast_in_dim3A_112 : vector<16xi1>, vector<16xi32>
      %add3A_114 = vector.broadcast %mul3A_110 : i32 to vector<16xi32>
      %add3A_115 = arith.addi %add3A_114, %select_n3A_113 : vector<16xi32>
      %dma_start3A_116 = arith.constant 16 : i32
      %dma_start3A_117 = tpu.memref_slice %arg13[%dma_start3A_116] : memref<144xf32, #tpu.memory_space<vmem>> -> memref<16xf32, #tpu.memory_space<vmem>>
      %dma_start3A_118 = arith.constant 0 : i32
      %dma_start3A_119 = tpu.memref_slice %arg6[%dma_start3A_118] : memref<786432xf32, #tpu.memory_space<hbm>> -> memref<786432xf32, #tpu.memory_space<hbm>>
      tpu.enqueue_indirect_dma source(%dma_start3A_119 : memref<786432xf32, #tpu.memory_space<hbm>>) target(%dma_start3A_117 : memref<16xf32, #tpu.memory_space<vmem>>) offsets(%add3A_115 : vector<16xi32>) semaphore(%arg16 : memref<!tpu.dma_semaphore, #tpu.memory_space<semaphore_mem>>)
      %lt3A_120 = arith.constant 139 : i32
      %lt3A_121 = vector.broadcast %lt3A_120 : i32 to vector<16xi32>
      %lt3A_122 = arith.cmpi slt, %add3A_67, %lt3A_121 : vector<16xi32>
      %mul3A_123 = arith.constant 8 : i32
      %mul3A_124 = vector.broadcast %mul3A_123 : i32 to vector<16xi32>
      %mul3A_125 = arith.muli %get3A_76, %mul3A_124 : vector<16xi32>
      %add3A_126 = arith.addi %mul3A_125, %get3A_79 : vector<16xi32>
      %jit3A_127 = arith.constant 0 : i32
      %broadcast_in_dim3A_128 = vector.broadcast %jit3A_127 : i32 to vector<16xi32>
      %select_n3A_129 = arith.select %lt3A_122, %add3A_126, %broadcast_in_dim3A_128 : vector<16xi1>, vector<16xi32>
      %dma_start3A_130 = arith.constant 16 : i32
      %dma_start3A_131 = tpu.memref_slice %arg14[%dma_start3A_130] : memref<144xf32, #tpu.memory_space<vmem>> -> memref<16xf32, #tpu.memory_space<vmem>>
      %dma_start3A_132 = arith.constant 0 : i32
      %dma_start3A_133 = tpu.memref_slice %arg7[%dma_start3A_132] : memref<64xf32, #tpu.memory_space<hbm>> -> memref<64xf32, #tpu.memory_space<hbm>>
      tpu.enqueue_indirect_dma source(%dma_start3A_133 : memref<64xf32, #tpu.memory_space<hbm>>) target(%dma_start3A_131 : memref<16xf32, #tpu.memory_space<vmem>>) offsets(%select_n3A_129 : vector<16xi32>) semaphore(%arg16 : memref<!tpu.dma_semaphore, #tpu.memory_space<semaphore_mem>>)
      %iota3A_134 = tpu.iota {dimensions = array<i32: 0>} : vector<16xi32>
      %add3A_135 = arith.constant 32 : i32
      %add3A_136 = vector.broadcast %add3A_135 : i32 to vector<16xi32>
      %add3A_137 = arith.addi %iota3A_134, %add3A_136 : vector<16xi32>
      %get3A_138 = arith.constant 32 : index
      %get3A_139 = tpu.vector_load %arg9[%get3A_138] {strides = array<i32>} : memref<144xi32, #tpu.memory_space<vmem>>, vector<16xi32>,
      %get3A_140 = vector.shape_cast %get3A_139 : vector<16xi32> to vector<16xi32>
      %get3A_141 = arith.constant 32 : index
      %get3A_142 = tpu.vector_load %arg10[%get3A_141] {strides = array<i32>} : memref<144xi32, #tpu.memory_space<vmem>>, vector<16xi32>,
      %get3A_143 = vector.shape_cast %get3A_142 : vector<16xi32> to vector<16xi32>
      %get3A_144 = arith.constant 32 : index
      %get3A_145 = tpu.vector_load %arg11[%get3A_144] {strides = array<i32>} : memref<144xi32, #tpu.memory_space<vmem>>, vector<16xi32>,
      %get3A_146 = vector.shape_cast %get3A_145 : vector<16xi32> to vector<16xi32>
      %get3A_147 = arith.constant 32 : index
      %get3A_148 = tpu.vector_load %arg12[%get3A_147] {strides = array<i32>} : memref<144xi32, #tpu.memory_space<vmem>>, vector<16xi32>,
      %get3A_149 = vector.shape_cast %get3A_148 : vector<16xi32> to vector<16xi32>
      %gt3A_150 = arith.constant 0 : i32
      %gt3A_151 = vector.broadcast %gt3A_150 : i32 to vector<16xi32>
      %gt3A_152 = arith.cmpi sgt, %get3A_140, %gt3A_151 : vector<16xi32>
      %gt3A_153 = arith.constant 0 : i32
      %gt3A_154 = vector.broadcast %gt3A_153 : i32 to vector<16xi32>
      %gt3A_155 = arith.cmpi sgt, %get3A_143, %gt3A_154 : vector<16xi32>
      %and3A_156 = arith.andi %gt3A_152, %gt3A_155 : vector<16xi1>
      %lt3A_157 = arith.constant 3 : i32
      %lt3A_158 = vector.broadcast %lt3A_157 : i32 to vector<16xi32>
      %lt3A_159 = arith.cmpi slt, %get3A_146, %lt3A_158 : vector<16xi32>
      %and3A_160 = arith.andi %and3A_156, %lt3A_159 : vector<16xi1>
      %lt3A_161 = arith.constant 140 : i32
      %lt3A_162 = vector.broadcast %lt3A_161 : i32 to vector<16xi32>
      %lt3A_163 = arith.cmpi slt, %add3A_137, %lt3A_162 : vector<16xi32>
      %and3A_164 = arith.andi %and3A_160, %lt3A_163 : vector<16xi1>
      %sub3A_165 = arith.constant 1 : i32
      %sub3A_166 = vector.broadcast %sub3A_165 : i32 to vector<16xi32>
      %sub3A_167 = arith.subi %get3A_140, %sub3A_166 : vector<16xi32>
      %mul3A_168 = arith.constant 384 : i32
      %mul3A_169 = vector.broadcast %mul3A_168 : i32 to vector<16xi32>
      %mul3A_170 = arith.muli %sub3A_167, %mul3A_169 : vector<16xi32>
      %sub3A_171 = arith.constant 1 : i32
      %sub3A_172 = vector.broadcast %sub3A_171 : i32 to vector<16xi32>
      %sub3A_173 = arith.subi %get3A_143, %sub3A_172 : vector<16xi32>
      %mul3A_174 = arith.constant 3 : i32
      %mul3A_175 = vector.broadcast %mul3A_174 : i32 to vector<16xi32>
      %mul3A_176 = arith.muli %sub3A_173, %mul3A_175 : vector<16xi32>
      %add3A_177 = arith.addi %mul3A_170, %mul3A_176 : vector<16xi32>
      %add3A_178 = arith.addi %add3A_177, %get3A_146 : vector<16xi32>
      %mul3A_179 = arith.constant 49152 : i32
      %mul3A_180 = arith.muli %add3A, %mul3A_179 : i32
      %jit3A_181 = arith.constant 0 : i32
      %broadcast_in_dim3A_182 = vector.broadcast %jit3A_181 : i32 to vector<16xi32>
      %select_n3A_183 = arith.select %and3A_164, %add3A_178, %broadcast_in_dim3A_182 : vector<16xi1>, vector<16xi32>
      %add3A_184 = vector.broadcast %mul3A_180 : i32 to vector<16xi32>
      %add3A_185 = arith.addi %add3A_184, %select_n3A_183 : vector<16xi32>
      %dma_start3A_186 = arith.constant 32 : i32
      %dma_start3A_187 = tpu.memref_slice %arg13[%dma_start3A_186] : memref<144xf32, #tpu.memory_space<vmem>> -> memref<16xf32, #tpu.memory_space<vmem>>
      %dma_start3A_188 = arith.constant 0 : i32
      %dma_start3A_189 = tpu.memref_slice %arg6[%dma_start3A_188] : memref<786432xf32, #tpu.memory_space<hbm>> -> memref<786432xf32, #tpu.memory_space<hbm>>
      tpu.enqueue_indirect_dma source(%dma_start3A_189 : memref<786432xf32, #tpu.memory_space<hbm>>) target(%dma_start3A_187 : memref<16xf32, #tpu.memory_space<vmem>>) offsets(%add3A_185 : vector<16xi32>) semaphore(%arg16 : memref<!tpu.dma_semaphore, #tpu.memory_space<semaphore_mem>>)
      %lt3A_190 = arith.constant 139 : i32
      %lt3A_191 = vector.broadcast %lt3A_190 : i32 to vector<16xi32>
      %lt3A_192 = arith.cmpi slt, %add3A_137, %lt3A_191 : vector<16xi32>
      %mul3A_193 = arith.constant 8 : i32
      %mul3A_194 = vector.broadcast %mul3A_193 : i32 to vector<16xi32>
      %mul3A_195 = arith.muli %get3A_146, %mul3A_194 : vector<16xi32>
      %add3A_196 = arith.addi %mul3A_195, %get3A_149 : vector<16xi32>
      %jit3A_197 = arith.constant 0 : i32
      %broadcast_in_dim3A_198 = vector.broadcast %jit3A_197 : i32 to vector<16xi32>
      %select_n3A_199 = arith.select %lt3A_192, %add3A_196, %broadcast_in_dim3A_198 : vector<16xi1>, vector<16xi32>
      %dma_start3A_200 = arith.constant 32 : i32
      %dma_start3A_201 = tpu.memref_slice %arg14[%dma_start3A_200] : memref<144xf32, #tpu.memory_space<vmem>> -> memref<16xf32, #tpu.memory_space<vmem>>
      %dma_start3A_202 = arith.constant 0 : i32
      %dma_start3A_203 = tpu.memref_slice %arg7[%dma_start3A_202] : memref<64xf32, #tpu.memory_space<hbm>> -> memref<64xf32, #tpu.memory_space<hbm>>
      tpu.enqueue_indirect_dma source(%dma_start3A_203 : memref<64xf32, #tpu.memory_space<hbm>>) target(%dma_start3A_201 : memref<16xf32, #tpu.memory_space<vmem>>) offsets(%select_n3A_199 : vector<16xi32>) semaphore(%arg16 : memref<!tpu.dma_semaphore, #tpu.memory_space<semaphore_mem>>)
      %iota3A_204 = tpu.iota {dimensions = array<i32: 0>} : vector<16xi32>
      %add3A_205 = arith.constant 48 : i32
      %add3A_206 = vector.broadcast %add3A_205 : i32 to vector<16xi32>
      %add3A_207 = arith.addi %iota3A_204, %add3A_206 : vector<16xi32>
      %get3A_208 = arith.constant 48 : index
      %get3A_209 = tpu.vector_load %arg9[%get3A_208] {strides = array<i32>} : memref<144xi32, #tpu.memory_space<vmem>>, vector<16xi32>,
      %get3A_210 = vector.shape_cast %get3A_209 : vector<16xi32> to vector<16xi32>
      %get3A_211 = arith.constant 48 : index
      %get3A_212 = tpu.vector_load %arg10[%get3A_211] {strides = array<i32>} : memref<144xi32, #tpu.memory_space<vmem>>, vector<16xi32>,
      %get3A_213 = vector.shape_cast %get3A_212 : vector<16xi32> to vector<16xi32>
      %get3A_214 = arith.constant 48 : index
      %get3A_215 = tpu.vector_load %arg11[%get3A_214] {strides = array<i32>} : memref<144xi32, #tpu.memory_space<vmem>>, vector<16xi32>,
      %get3A_216 = vector.shape_cast %get3A_215 : vector<16xi32> to vector<16xi32>
      %get3A_217 = arith.constant 48 : index
      %get3A_218 = tpu.vector_load %arg12[%get3A_217] {strides = array<i32>} : memref<144xi32, #tpu.memory_space<vmem>>, vector<16xi32>,
      %get3A_219 = vector.shape_cast %get3A_218 : vector<16xi32> to vector<16xi32>
      %gt3A_220 = arith.constant 0 : i32
      %gt3A_221 = vector.broadcast %gt3A_220 : i32 to vector<16xi32>
      %gt3A_222 = arith.cmpi sgt, %get3A_210, %gt3A_221 : vector<16xi32>
      %gt3A_223 = arith.constant 0 : i32
      %gt3A_224 = vector.broadcast %gt3A_223 : i32 to vector<16xi32>
      %gt3A_225 = arith.cmpi sgt, %get3A_213, %gt3A_224 : vector<16xi32>
      %and3A_226 = arith.andi %gt3A_222, %gt3A_225 : vector<16xi1>
      %lt3A_227 = arith.constant 3 : i32
      %lt3A_228 = vector.broadcast %lt3A_227 : i32 to vector<16xi32>
      %lt3A_229 = arith.cmpi slt, %get3A_216, %lt3A_228 : vector<16xi32>
      %and3A_230 = arith.andi %and3A_226, %lt3A_229 : vector<16xi1>
      %lt3A_231 = arith.constant 140 : i32
      %lt3A_232 = vector.broadcast %lt3A_231 : i32 to vector<16xi32>
      %lt3A_233 = arith.cmpi slt, %add3A_207, %lt3A_232 : vector<16xi32>
      %and3A_234 = arith.andi %and3A_230, %lt3A_233 : vector<16xi1>
      %sub3A_235 = arith.constant 1 : i32
      %sub3A_236 = vector.broadcast %sub3A_235 : i32 to vector<16xi32>
      %sub3A_237 = arith.subi %get3A_210, %sub3A_236 : vector<16xi32>
      %mul3A_238 = arith.constant 384 : i32
      %mul3A_239 = vector.broadcast %mul3A_238 : i32 to vector<16xi32>
      %mul3A_240 = arith.muli %sub3A_237, %mul3A_239 : vector<16xi32>
      %sub3A_241 = arith.constant 1 : i32
      %sub3A_242 = vector.broadcast %sub3A_241 : i32 to vector<16xi32>
      %sub3A_243 = arith.subi %get3A_213, %sub3A_242 : vector<16xi32>
      %mul3A_244 = arith.constant 3 : i32
      %mul3A_245 = vector.broadcast %mul3A_244 : i32 to vector<16xi32>
      %mul3A_246 = arith.muli %sub3A_243, %mul3A_245 : vector<16xi32>
      %add3A_247 = arith.addi %mul3A_240, %mul3A_246 : vector<16xi32>
      %add3A_248 = arith.addi %add3A_247, %get3A_216 : vector<16xi32>
      %mul3A_249 = arith.constant 49152 : i32
      %mul3A_250 = arith.muli %add3A, %mul3A_249 : i32
      %jit3A_251 = arith.constant 0 : i32
      %broadcast_in_dim3A_252 = vector.broadcast %jit3A_251 : i32 to vector<16xi32>
      %select_n3A_253 = arith.select %and3A_234, %add3A_248, %broadcast_in_dim3A_252 : vector<16xi1>, vector<16xi32>
      %add3A_254 = vector.broadcast %mul3A_250 : i32 to vector<16xi32>
      %add3A_255 = arith.addi %add3A_254, %select_n3A_253 : vector<16xi32>
      %dma_start3A_256 = arith.constant 48 : i32
      %dma_start3A_257 = tpu.memref_slice %arg13[%dma_start3A_256] : memref<144xf32, #tpu.memory_space<vmem>> -> memref<16xf32, #tpu.memory_space<vmem>>
      %dma_start3A_258 = arith.constant 0 : i32
      %dma_start3A_259 = tpu.memref_slice %arg6[%dma_start3A_258] : memref<786432xf32, #tpu.memory_space<hbm>> -> memref<786432xf32, #tpu.memory_space<hbm>>
      tpu.enqueue_indirect_dma source(%dma_start3A_259 : memref<786432xf32, #tpu.memory_space<hbm>>) target(%dma_start3A_257 : memref<16xf32, #tpu.memory_space<vmem>>) offsets(%add3A_255 : vector<16xi32>) semaphore(%arg16 : memref<!tpu.dma_semaphore, #tpu.memory_space<semaphore_mem>>)
      %lt3A_260 = arith.constant 139 : i32
      %lt3A_261 = vector.broadcast %lt3A_260 : i32 to vector<16xi32>
      %lt3A_262 = arith.cmpi slt, %add3A_207, %lt3A_261 : vector<16xi32>
      %mul3A_263 = arith.constant 8 : i32
      %mul3A_264 = vector.broadcast %mul3A_263 : i32 to vector<16xi32>
      %mul3A_265 = arith.muli %get3A_216, %mul3A_264 : vector<16xi32>
      %add3A_266 = arith.addi %mul3A_265, %get3A_219 : vector<16xi32>
      %jit3A_267 = arith.constant 0 : i32
      %broadcast_in_dim3A_268 = vector.broadcast %jit3A_267 : i32 to vector<16xi32>
      %select_n3A_269 = arith.select %lt3A_262, %add3A_266, %broadcast_in_dim3A_268 : vector<16xi1>, vector<16xi32>
      %dma_start3A_270 = arith.constant 48 : i32
      %dma_start3A_271 = tpu.memref_slice %arg14[%dma_start3A_270] : memref<144xf32, #tpu.memory_space<vmem>> -> memref<16xf32, #tpu.memory_space<vmem>>
      %dma_start3A_272 = arith.constant 0 : i32
      %dma_start3A_273 = tpu.memref_slice %arg7[%dma_start3A_272] : memref<64xf32, #tpu.memory_space<hbm>> -> memref<64xf32, #tpu.memory_space<hbm>>
      tpu.enqueue_indirect_dma source(%dma_start3A_273 : memref<64xf32, #tpu.memory_space<hbm>>) target(%dma_start3A_271 : memref<16xf32, #tpu.memory_space<vmem>>) offsets(%select_n3A_269 : vector<16xi32>) semaphore(%arg16 : memref<!tpu.dma_semaphore, #tpu.memory_space<semaphore_mem>>)
      %iota3A_274 = tpu.iota {dimensions = array<i32: 0>} : vector<16xi32>
      %add3A_275 = arith.constant 64 : i32
      %add3A_276 = vector.broadcast %add3A_275 : i32 to vector<16xi32>
      %add3A_277 = arith.addi %iota3A_274, %add3A_276 : vector<16xi32>
      %get3A_278 = arith.constant 64 : index
      %get3A_279 = tpu.vector_load %arg9[%get3A_278] {strides = array<i32>} : memref<144xi32, #tpu.memory_space<vmem>>, vector<16xi32>,
      %get3A_280 = vector.shape_cast %get3A_279 : vector<16xi32> to vector<16xi32>
      %get3A_281 = arith.constant 64 : index
      %get3A_282 = tpu.vector_load %arg10[%get3A_281] {strides = array<i32>} : memref<144xi32, #tpu.memory_space<vmem>>, vector<16xi32>,
      %get3A_283 = vector.shape_cast %get3A_282 : vector<16xi32> to vector<16xi32>
      %get3A_284 = arith.constant 64 : index
      %get3A_285 = tpu.vector_load %arg11[%get3A_284] {strides = array<i32>} : memref<144xi32, #tpu.memory_space<vmem>>, vector<16xi32>,
      %get3A_286 = vector.shape_cast %get3A_285 : vector<16xi32> to vector<16xi32>
      %get3A_287 = arith.constant 64 : index
      %get3A_288 = tpu.vector_load %arg12[%get3A_287] {strides = array<i32>} : memref<144xi32, #tpu.memory_space<vmem>>, vector<16xi32>,
      %get3A_289 = vector.shape_cast %get3A_288 : vector<16xi32> to vector<16xi32>
      %gt3A_290 = arith.constant 0 : i32
      %gt3A_291 = vector.broadcast %gt3A_290 : i32 to vector<16xi32>
      %gt3A_292 = arith.cmpi sgt, %get3A_280, %gt3A_291 : vector<16xi32>
      %gt3A_293 = arith.constant 0 : i32
      %gt3A_294 = vector.broadcast %gt3A_293 : i32 to vector<16xi32>
      %gt3A_295 = arith.cmpi sgt, %get3A_283, %gt3A_294 : vector<16xi32>
      %and3A_296 = arith.andi %gt3A_292, %gt3A_295 : vector<16xi1>
      %lt3A_297 = arith.constant 3 : i32
      %lt3A_298 = vector.broadcast %lt3A_297 : i32 to vector<16xi32>
      %lt3A_299 = arith.cmpi slt, %get3A_286, %lt3A_298 : vector<16xi32>
      %and3A_300 = arith.andi %and3A_296, %lt3A_299 : vector<16xi1>
      %lt3A_301 = arith.constant 140 : i32
      %lt3A_302 = vector.broadcast %lt3A_301 : i32 to vector<16xi32>
      %lt3A_303 = arith.cmpi slt, %add3A_277, %lt3A_302 : vector<16xi32>
      %and3A_304 = arith.andi %and3A_300, %lt3A_303 : vector<16xi1>
      %sub3A_305 = arith.constant 1 : i32
      %sub3A_306 = vector.broadcast %sub3A_305 : i32 to vector<16xi32>
      %sub3A_307 = arith.subi %get3A_280, %sub3A_306 : vector<16xi32>
      %mul3A_308 = arith.constant 384 : i32
      %mul3A_309 = vector.broadcast %mul3A_308 : i32 to vector<16xi32>
      %mul3A_310 = arith.muli %sub3A_307, %mul3A_309 : vector<16xi32>
      %sub3A_311 = arith.constant 1 : i32
      %sub3A_312 = vector.broadcast %sub3A_311 : i32 to vector<16xi32>
      %sub3A_313 = arith.subi %get3A_283, %sub3A_312 : vector<16xi32>
      %mul3A_314 = arith.constant 3 : i32
      %mul3A_315 = vector.broadcast %mul3A_314 : i32 to vector<16xi32>
      %mul3A_316 = arith.muli %sub3A_313, %mul3A_315 : vector<16xi32>
      %add3A_317 = arith.addi %mul3A_310, %mul3A_316 : vector<16xi32>
      %add3A_318 = arith.addi %add3A_317, %get3A_286 : vector<16xi32>
      %mul3A_319 = arith.constant 49152 : i32
      %mul3A_320 = arith.muli %add3A, %mul3A_319 : i32
      %jit3A_321 = arith.constant 0 : i32
      %broadcast_in_dim3A_322 = vector.broadcast %jit3A_321 : i32 to vector<16xi32>
      %select_n3A_323 = arith.select %and3A_304, %add3A_318, %broadcast_in_dim3A_322 : vector<16xi1>, vector<16xi32>
      %add3A_324 = vector.broadcast %mul3A_320 : i32 to vector<16xi32>
      %add3A_325 = arith.addi %add3A_324, %select_n3A_323 : vector<16xi32>
      %dma_start3A_326 = arith.constant 64 : i32
      %dma_start3A_327 = tpu.memref_slice %arg13[%dma_start3A_326] : memref<144xf32, #tpu.memory_space<vmem>> -> memref<16xf32, #tpu.memory_space<vmem>>
      %dma_start3A_328 = arith.constant 0 : i32
      %dma_start3A_329 = tpu.memref_slice %arg6[%dma_start3A_328] : memref<786432xf32, #tpu.memory_space<hbm>> -> memref<786432xf32, #tpu.memory_space<hbm>>
      tpu.enqueue_indirect_dma source(%dma_start3A_329 : memref<786432xf32, #tpu.memory_space<hbm>>) target(%dma_start3A_327 : memref<16xf32, #tpu.memory_space<vmem>>) offsets(%add3A_325 : vector<16xi32>) semaphore(%arg16 : memref<!tpu.dma_semaphore, #tpu.memory_space<semaphore_mem>>)
      %lt3A_330 = arith.constant 139 : i32
      %lt3A_331 = vector.broadcast %lt3A_330 : i32 to vector<16xi32>
      %lt3A_332 = arith.cmpi slt, %add3A_277, %lt3A_331 : vector<16xi32>
      %mul3A_333 = arith.constant 8 : i32
      %mul3A_334 = vector.broadcast %mul3A_333 : i32 to vector<16xi32>
      %mul3A_335 = arith.muli %get3A_286, %mul3A_334 : vector<16xi32>
      %add3A_336 = arith.addi %mul3A_335, %get3A_289 : vector<16xi32>
      %jit3A_337 = arith.constant 0 : i32
      %broadcast_in_dim3A_338 = vector.broadcast %jit3A_337 : i32 to vector<16xi32>
      %select_n3A_339 = arith.select %lt3A_332, %add3A_336, %broadcast_in_dim3A_338 : vector<16xi1>, vector<16xi32>
      %dma_start3A_340 = arith.constant 64 : i32
      %dma_start3A_341 = tpu.memref_slice %arg14[%dma_start3A_340] : memref<144xf32, #tpu.memory_space<vmem>> -> memref<16xf32, #tpu.memory_space<vmem>>
      %dma_start3A_342 = arith.constant 0 : i32
      %dma_start3A_343 = tpu.memref_slice %arg7[%dma_start3A_342] : memref<64xf32, #tpu.memory_space<hbm>> -> memref<64xf32, #tpu.memory_space<hbm>>
      tpu.enqueue_indirect_dma source(%dma_start3A_343 : memref<64xf32, #tpu.memory_space<hbm>>) target(%dma_start3A_341 : memref<16xf32, #tpu.memory_space<vmem>>) offsets(%select_n3A_339 : vector<16xi32>) semaphore(%arg16 : memref<!tpu.dma_semaphore, #tpu.memory_space<semaphore_mem>>)
      %iota3A_344 = tpu.iota {dimensions = array<i32: 0>} : vector<16xi32>
      %add3A_345 = arith.constant 80 : i32
      %add3A_346 = vector.broadcast %add3A_345 : i32 to vector<16xi32>
      %add3A_347 = arith.addi %iota3A_344, %add3A_346 : vector<16xi32>
      %get3A_348 = arith.constant 80 : index
      %get3A_349 = tpu.vector_load %arg9[%get3A_348] {strides = array<i32>} : memref<144xi32, #tpu.memory_space<vmem>>, vector<16xi32>,
      %get3A_350 = vector.shape_cast %get3A_349 : vector<16xi32> to vector<16xi32>
      %get3A_351 = arith.constant 80 : index
      %get3A_352 = tpu.vector_load %arg10[%get3A_351] {strides = array<i32>} : memref<144xi32, #tpu.memory_space<vmem>>, vector<16xi32>,
      %get3A_353 = vector.shape_cast %get3A_352 : vector<16xi32> to vector<16xi32>
      %get3A_354 = arith.constant 80 : index
      %get3A_355 = tpu.vector_load %arg11[%get3A_354] {strides = array<i32>} : memref<144xi32, #tpu.memory_space<vmem>>, vector<16xi32>,
      %get3A_356 = vector.shape_cast %get3A_355 : vector<16xi32> to vector<16xi32>
      %get3A_357 = arith.constant 80 : index
      %get3A_358 = tpu.vector_load %arg12[%get3A_357] {strides = array<i32>} : memref<144xi32, #tpu.memory_space<vmem>>, vector<16xi32>,
      %get3A_359 = vector.shape_cast %get3A_358 : vector<16xi32> to vector<16xi32>
      %gt3A_360 = arith.constant 0 : i32
      %gt3A_361 = vector.broadcast %gt3A_360 : i32 to vector<16xi32>
      %gt3A_362 = arith.cmpi sgt, %get3A_350, %gt3A_361 : vector<16xi32>
      %gt3A_363 = arith.constant 0 : i32
      %gt3A_364 = vector.broadcast %gt3A_363 : i32 to vector<16xi32>
      %gt3A_365 = arith.cmpi sgt, %get3A_353, %gt3A_364 : vector<16xi32>
      %and3A_366 = arith.andi %gt3A_362, %gt3A_365 : vector<16xi1>
      %lt3A_367 = arith.constant 3 : i32
      %lt3A_368 = vector.broadcast %lt3A_367 : i32 to vector<16xi32>
      %lt3A_369 = arith.cmpi slt, %get3A_356, %lt3A_368 : vector<16xi32>
      %and3A_370 = arith.andi %and3A_366, %lt3A_369 : vector<16xi1>
      %lt3A_371 = arith.constant 140 : i32
      %lt3A_372 = vector.broadcast %lt3A_371 : i32 to vector<16xi32>
      %lt3A_373 = arith.cmpi slt, %add3A_347, %lt3A_372 : vector<16xi32>
      %and3A_374 = arith.andi %and3A_370, %lt3A_373 : vector<16xi1>
      %sub3A_375 = arith.constant 1 : i32
      %sub3A_376 = vector.broadcast %sub3A_375 : i32 to vector<16xi32>
      %sub3A_377 = arith.subi %get3A_350, %sub3A_376 : vector<16xi32>
      %mul3A_378 = arith.constant 384 : i32
      %mul3A_379 = vector.broadcast %mul3A_378 : i32 to vector<16xi32>
      %mul3A_380 = arith.muli %sub3A_377, %mul3A_379 : vector<16xi32>
      %sub3A_381 = arith.constant 1 : i32
      %sub3A_382 = vector.broadcast %sub3A_381 : i32 to vector<16xi32>
      %sub3A_383 = arith.subi %get3A_353, %sub3A_382 : vector<16xi32>
      %mul3A_384 = arith.constant 3 : i32
      %mul3A_385 = vector.broadcast %mul3A_384 : i32 to vector<16xi32>
      %mul3A_386 = arith.muli %sub3A_383, %mul3A_385 : vector<16xi32>
      %add3A_387 = arith.addi %mul3A_380, %mul3A_386 : vector<16xi32>
      %add3A_388 = arith.addi %add3A_387, %get3A_356 : vector<16xi32>
      %mul3A_389 = arith.constant 49152 : i32
      %mul3A_390 = arith.muli %add3A, %mul3A_389 : i32
      %jit3A_391 = arith.constant 0 : i32
      %broadcast_in_dim3A_392 = vector.broadcast %jit3A_391 : i32 to vector<16xi32>
      %select_n3A_393 = arith.select %and3A_374, %add3A_388, %broadcast_in_dim3A_392 : vector<16xi1>, vector<16xi32>
      %add3A_394 = vector.broadcast %mul3A_390 : i32 to vector<16xi32>
      %add3A_395 = arith.addi %add3A_394, %select_n3A_393 : vector<16xi32>
      %dma_start3A_396 = arith.constant 80 : i32
      %dma_start3A_397 = tpu.memref_slice %arg13[%dma_start3A_396] : memref<144xf32, #tpu.memory_space<vmem>> -> memref<16xf32, #tpu.memory_space<vmem>>
      %dma_start3A_398 = arith.constant 0 : i32
      %dma_start3A_399 = tpu.memref_slice %arg6[%dma_start3A_398] : memref<786432xf32, #tpu.memory_space<hbm>> -> memref<786432xf32, #tpu.memory_space<hbm>>
      tpu.enqueue_indirect_dma source(%dma_start3A_399 : memref<786432xf32, #tpu.memory_space<hbm>>) target(%dma_start3A_397 : memref<16xf32, #tpu.memory_space<vmem>>) offsets(%add3A_395 : vector<16xi32>) semaphore(%arg16 : memref<!tpu.dma_semaphore, #tpu.memory_space<semaphore_mem>>)
      %lt3A_400 = arith.constant 139 : i32
      %lt3A_401 = vector.broadcast %lt3A_400 : i32 to vector<16xi32>
      %lt3A_402 = arith.cmpi slt, %add3A_347, %lt3A_401 : vector<16xi32>
      %mul3A_403 = arith.constant 8 : i32
      %mul3A_404 = vector.broadcast %mul3A_403 : i32 to vector<16xi32>
      %mul3A_405 = arith.muli %get3A_356, %mul3A_404 : vector<16xi32>
      %add3A_406 = arith.addi %mul3A_405, %get3A_359 : vector<16xi32>
      %jit3A_407 = arith.constant 0 : i32
      %broadcast_in_dim3A_408 = vector.broadcast %jit3A_407 : i32 to vector<16xi32>
      %select_n3A_409 = arith.select %lt3A_402, %add3A_406, %broadcast_in_dim3A_408 : vector<16xi1>, vector<16xi32>
      %dma_start3A_410 = arith.constant 80 : i32
      %dma_start3A_411 = tpu.memref_slice %arg14[%dma_start3A_410] : memref<144xf32, #tpu.memory_space<vmem>> -> memref<16xf32, #tpu.memory_space<vmem>>
      %dma_start3A_412 = arith.constant 0 : i32
      %dma_start3A_413 = tpu.memref_slice %arg7[%dma_start3A_412] : memref<64xf32, #tpu.memory_space<hbm>> -> memref<64xf32, #tpu.memory_space<hbm>>
      tpu.enqueue_indirect_dma source(%dma_start3A_413 : memref<64xf32, #tpu.memory_space<hbm>>) target(%dma_start3A_411 : memref<16xf32, #tpu.memory_space<vmem>>) offsets(%select_n3A_409 : vector<16xi32>) semaphore(%arg16 : memref<!tpu.dma_semaphore, #tpu.memory_space<semaphore_mem>>)
      %iota3A_414 = tpu.iota {dimensions = array<i32: 0>} : vector<16xi32>
      %add3A_415 = arith.constant 96 : i32
      %add3A_416 = vector.broadcast %add3A_415 : i32 to vector<16xi32>
      %add3A_417 = arith.addi %iota3A_414, %add3A_416 : vector<16xi32>
      %get3A_418 = arith.constant 96 : index
      %get3A_419 = tpu.vector_load %arg9[%get3A_418] {strides = array<i32>} : memref<144xi32, #tpu.memory_space<vmem>>, vector<16xi32>,
      %get3A_420 = vector.shape_cast %get3A_419 : vector<16xi32> to vector<16xi32>
      %get3A_421 = arith.constant 96 : index
      %get3A_422 = tpu.vector_load %arg10[%get3A_421] {strides = array<i32>} : memref<144xi32, #tpu.memory_space<vmem>>, vector<16xi32>,
      %get3A_423 = vector.shape_cast %get3A_422 : vector<16xi32> to vector<16xi32>
      %get3A_424 = arith.constant 96 : index
      %get3A_425 = tpu.vector_load %arg11[%get3A_424] {strides = array<i32>} : memref<144xi32, #tpu.memory_space<vmem>>, vector<16xi32>,
      %get3A_426 = vector.shape_cast %get3A_425 : vector<16xi32> to vector<16xi32>
      %get3A_427 = arith.constant 96 : index
      %get3A_428 = tpu.vector_load %arg12[%get3A_427] {strides = array<i32>} : memref<144xi32, #tpu.memory_space<vmem>>, vector<16xi32>,
      %get3A_429 = vector.shape_cast %get3A_428 : vector<16xi32> to vector<16xi32>
      %gt3A_430 = arith.constant 0 : i32
      %gt3A_431 = vector.broadcast %gt3A_430 : i32 to vector<16xi32>
      %gt3A_432 = arith.cmpi sgt, %get3A_420, %gt3A_431 : vector<16xi32>
      %gt3A_433 = arith.constant 0 : i32
      %gt3A_434 = vector.broadcast %gt3A_433 : i32 to vector<16xi32>
      %gt3A_435 = arith.cmpi sgt, %get3A_423, %gt3A_434 : vector<16xi32>
      %and3A_436 = arith.andi %gt3A_432, %gt3A_435 : vector<16xi1>
      %lt3A_437 = arith.constant 3 : i32
      %lt3A_438 = vector.broadcast %lt3A_437 : i32 to vector<16xi32>
      %lt3A_439 = arith.cmpi slt, %get3A_426, %lt3A_438 : vector<16xi32>
      %and3A_440 = arith.andi %and3A_436, %lt3A_439 : vector<16xi1>
      %lt3A_441 = arith.constant 140 : i32
      %lt3A_442 = vector.broadcast %lt3A_441 : i32 to vector<16xi32>
      %lt3A_443 = arith.cmpi slt, %add3A_417, %lt3A_442 : vector<16xi32>
      %and3A_444 = arith.andi %and3A_440, %lt3A_443 : vector<16xi1>
      %sub3A_445 = arith.constant 1 : i32
      %sub3A_446 = vector.broadcast %sub3A_445 : i32 to vector<16xi32>
      %sub3A_447 = arith.subi %get3A_420, %sub3A_446 : vector<16xi32>
      %mul3A_448 = arith.constant 384 : i32
      %mul3A_449 = vector.broadcast %mul3A_448 : i32 to vector<16xi32>
      %mul3A_450 = arith.muli %sub3A_447, %mul3A_449 : vector<16xi32>
      %sub3A_451 = arith.constant 1 : i32
      %sub3A_452 = vector.broadcast %sub3A_451 : i32 to vector<16xi32>
      %sub3A_453 = arith.subi %get3A_423, %sub3A_452 : vector<16xi32>
      %mul3A_454 = arith.constant 3 : i32
      %mul3A_455 = vector.broadcast %mul3A_454 : i32 to vector<16xi32>
      %mul3A_456 = arith.muli %sub3A_453, %mul3A_455 : vector<16xi32>
      %add3A_457 = arith.addi %mul3A_450, %mul3A_456 : vector<16xi32>
      %add3A_458 = arith.addi %add3A_457, %get3A_426 : vector<16xi32>
      %mul3A_459 = arith.constant 49152 : i32
      %mul3A_460 = arith.muli %add3A, %mul3A_459 : i32
      %jit3A_461 = arith.constant 0 : i32
      %broadcast_in_dim3A_462 = vector.broadcast %jit3A_461 : i32 to vector<16xi32>
      %select_n3A_463 = arith.select %and3A_444, %add3A_458, %broadcast_in_dim3A_462 : vector<16xi1>, vector<16xi32>
      %add3A_464 = vector.broadcast %mul3A_460 : i32 to vector<16xi32>
      %add3A_465 = arith.addi %add3A_464, %select_n3A_463 : vector<16xi32>
      %dma_start3A_466 = arith.constant 96 : i32
      %dma_start3A_467 = tpu.memref_slice %arg13[%dma_start3A_466] : memref<144xf32, #tpu.memory_space<vmem>> -> memref<16xf32, #tpu.memory_space<vmem>>
      %dma_start3A_468 = arith.constant 0 : i32
      %dma_start3A_469 = tpu.memref_slice %arg6[%dma_start3A_468] : memref<786432xf32, #tpu.memory_space<hbm>> -> memref<786432xf32, #tpu.memory_space<hbm>>
      tpu.enqueue_indirect_dma source(%dma_start3A_469 : memref<786432xf32, #tpu.memory_space<hbm>>) target(%dma_start3A_467 : memref<16xf32, #tpu.memory_space<vmem>>) offsets(%add3A_465 : vector<16xi32>) semaphore(%arg16 : memref<!tpu.dma_semaphore, #tpu.memory_space<semaphore_mem>>)
      %lt3A_470 = arith.constant 139 : i32
      %lt3A_471 = vector.broadcast %lt3A_470 : i32 to vector<16xi32>
      %lt3A_472 = arith.cmpi slt, %add3A_417, %lt3A_471 : vector<16xi32>
      %mul3A_473 = arith.constant 8 : i32
      %mul3A_474 = vector.broadcast %mul3A_473 : i32 to vector<16xi32>
      %mul3A_475 = arith.muli %get3A_426, %mul3A_474 : vector<16xi32>
      %add3A_476 = arith.addi %mul3A_475, %get3A_429 : vector<16xi32>
      %jit3A_477 = arith.constant 0 : i32
      %broadcast_in_dim3A_478 = vector.broadcast %jit3A_477 : i32 to vector<16xi32>
      %select_n3A_479 = arith.select %lt3A_472, %add3A_476, %broadcast_in_dim3A_478 : vector<16xi1>, vector<16xi32>
      %dma_start3A_480 = arith.constant 96 : i32
      %dma_start3A_481 = tpu.memref_slice %arg14[%dma_start3A_480] : memref<144xf32, #tpu.memory_space<vmem>> -> memref<16xf32, #tpu.memory_space<vmem>>
      %dma_start3A_482 = arith.constant 0 : i32
      %dma_start3A_483 = tpu.memref_slice %arg7[%dma_start3A_482] : memref<64xf32, #tpu.memory_space<hbm>> -> memref<64xf32, #tpu.memory_space<hbm>>
      tpu.enqueue_indirect_dma source(%dma_start3A_483 : memref<64xf32, #tpu.memory_space<hbm>>) target(%dma_start3A_481 : memref<16xf32, #tpu.memory_space<vmem>>) offsets(%select_n3A_479 : vector<16xi32>) semaphore(%arg16 : memref<!tpu.dma_semaphore, #tpu.memory_space<semaphore_mem>>)
      %iota3A_484 = tpu.iota {dimensions = array<i32: 0>} : vector<16xi32>
      %add3A_485 = arith.constant 112 : i32
      %add3A_486 = vector.broadcast %add3A_485 : i32 to vector<16xi32>
      %add3A_487 = arith.addi %iota3A_484, %add3A_486 : vector<16xi32>
      %get3A_488 = arith.constant 112 : index
      %get3A_489 = tpu.vector_load %arg9[%get3A_488] {strides = array<i32>} : memref<144xi32, #tpu.memory_space<vmem>>, vector<16xi32>,
      %get3A_490 = vector.shape_cast %get3A_489 : vector<16xi32> to vector<16xi32>
      %get3A_491 = arith.constant 112 : index
      %get3A_492 = tpu.vector_load %arg10[%get3A_491] {strides = array<i32>} : memref<144xi32, #tpu.memory_space<vmem>>, vector<16xi32>,
      %get3A_493 = vector.shape_cast %get3A_492 : vector<16xi32> to vector<16xi32>
      %get3A_494 = arith.constant 112 : index
      %get3A_495 = tpu.vector_load %arg11[%get3A_494] {strides = array<i32>} : memref<144xi32, #tpu.memory_space<vmem>>, vector<16xi32>,
      %get3A_496 = vector.shape_cast %get3A_495 : vector<16xi32> to vector<16xi32>
      %get3A_497 = arith.constant 112 : index
      %get3A_498 = tpu.vector_load %arg12[%get3A_497] {strides = array<i32>} : memref<144xi32, #tpu.memory_space<vmem>>, vector<16xi32>,
      %get3A_499 = vector.shape_cast %get3A_498 : vector<16xi32> to vector<16xi32>
      %gt3A_500 = arith.constant 0 : i32
      %gt3A_501 = vector.broadcast %gt3A_500 : i32 to vector<16xi32>
      %gt3A_502 = arith.cmpi sgt, %get3A_490, %gt3A_501 : vector<16xi32>
      %gt3A_503 = arith.constant 0 : i32
      %gt3A_504 = vector.broadcast %gt3A_503 : i32 to vector<16xi32>
      %gt3A_505 = arith.cmpi sgt, %get3A_493, %gt3A_504 : vector<16xi32>
      %and3A_506 = arith.andi %gt3A_502, %gt3A_505 : vector<16xi1>
      %lt3A_507 = arith.constant 3 : i32
      %lt3A_508 = vector.broadcast %lt3A_507 : i32 to vector<16xi32>
      %lt3A_509 = arith.cmpi slt, %get3A_496, %lt3A_508 : vector<16xi32>
      %and3A_510 = arith.andi %and3A_506, %lt3A_509 : vector<16xi1>
      %lt3A_511 = arith.constant 140 : i32
      %lt3A_512 = vector.broadcast %lt3A_511 : i32 to vector<16xi32>
      %lt3A_513 = arith.cmpi slt, %add3A_487, %lt3A_512 : vector<16xi32>
      %and3A_514 = arith.andi %and3A_510, %lt3A_513 : vector<16xi1>
      %sub3A_515 = arith.constant 1 : i32
      %sub3A_516 = vector.broadcast %sub3A_515 : i32 to vector<16xi32>
      %sub3A_517 = arith.subi %get3A_490, %sub3A_516 : vector<16xi32>
      %mul3A_518 = arith.constant 384 : i32
      %mul3A_519 = vector.broadcast %mul3A_518 : i32 to vector<16xi32>
      %mul3A_520 = arith.muli %sub3A_517, %mul3A_519 : vector<16xi32>
      %sub3A_521 = arith.constant 1 : i32
      %sub3A_522 = vector.broadcast %sub3A_521 : i32 to vector<16xi32>
      %sub3A_523 = arith.subi %get3A_493, %sub3A_522 : vector<16xi32>
      %mul3A_524 = arith.constant 3 : i32
      %mul3A_525 = vector.broadcast %mul3A_524 : i32 to vector<16xi32>
      %mul3A_526 = arith.muli %sub3A_523, %mul3A_525 : vector<16xi32>
      %add3A_527 = arith.addi %mul3A_520, %mul3A_526 : vector<16xi32>
      %add3A_528 = arith.addi %add3A_527, %get3A_496 : vector<16xi32>
      %mul3A_529 = arith.constant 49152 : i32
      %mul3A_530 = arith.muli %add3A, %mul3A_529 : i32
      %jit3A_531 = arith.constant 0 : i32
      %broadcast_in_dim3A_532 = vector.broadcast %jit3A_531 : i32 to vector<16xi32>
      %select_n3A_533 = arith.select %and3A_514, %add3A_528, %broadcast_in_dim3A_532 : vector<16xi1>, vector<16xi32>
      %add3A_534 = vector.broadcast %mul3A_530 : i32 to vector<16xi32>
      %add3A_535 = arith.addi %add3A_534, %select_n3A_533 : vector<16xi32>
      %dma_start3A_536 = arith.constant 112 : i32
      %dma_start3A_537 = tpu.memref_slice %arg13[%dma_start3A_536] : memref<144xf32, #tpu.memory_space<vmem>> -> memref<16xf32, #tpu.memory_space<vmem>>
      %dma_start3A_538 = arith.constant 0 : i32
      %dma_start3A_539 = tpu.memref_slice %arg6[%dma_start3A_538] : memref<786432xf32, #tpu.memory_space<hbm>> -> memref<786432xf32, #tpu.memory_space<hbm>>
      tpu.enqueue_indirect_dma source(%dma_start3A_539 : memref<786432xf32, #tpu.memory_space<hbm>>) target(%dma_start3A_537 : memref<16xf32, #tpu.memory_space<vmem>>) offsets(%add3A_535 : vector<16xi32>) semaphore(%arg16 : memref<!tpu.dma_semaphore, #tpu.memory_space<semaphore_mem>>)
      %lt3A_540 = arith.constant 139 : i32
      %lt3A_541 = vector.broadcast %lt3A_540 : i32 to vector<16xi32>
      %lt3A_542 = arith.cmpi slt, %add3A_487, %lt3A_541 : vector<16xi32>
      %mul3A_543 = arith.constant 8 : i32
      %mul3A_544 = vector.broadcast %mul3A_543 : i32 to vector<16xi32>
      %mul3A_545 = arith.muli %get3A_496, %mul3A_544 : vector<16xi32>
      %add3A_546 = arith.addi %mul3A_545, %get3A_499 : vector<16xi32>
      %jit3A_547 = arith.constant 0 : i32
      %broadcast_in_dim3A_548 = vector.broadcast %jit3A_547 : i32 to vector<16xi32>
      %select_n3A_549 = arith.select %lt3A_542, %add3A_546, %broadcast_in_dim3A_548 : vector<16xi1>, vector<16xi32>
      %dma_start3A_550 = arith.constant 112 : i32
      %dma_start3A_551 = tpu.memref_slice %arg14[%dma_start3A_550] : memref<144xf32, #tpu.memory_space<vmem>> -> memref<16xf32, #tpu.memory_space<vmem>>
      %dma_start3A_552 = arith.constant 0 : i32
      %dma_start3A_553 = tpu.memref_slice %arg7[%dma_start3A_552] : memref<64xf32, #tpu.memory_space<hbm>> -> memref<64xf32, #tpu.memory_space<hbm>>
      tpu.enqueue_indirect_dma source(%dma_start3A_553 : memref<64xf32, #tpu.memory_space<hbm>>) target(%dma_start3A_551 : memref<16xf32, #tpu.memory_space<vmem>>) offsets(%select_n3A_549 : vector<16xi32>) semaphore(%arg16 : memref<!tpu.dma_semaphore, #tpu.memory_space<semaphore_mem>>)
      %iota3A_554 = tpu.iota {dimensions = array<i32: 0>} : vector<16xi32>
      %add3A_555 = arith.constant 128 : i32
      %add3A_556 = vector.broadcast %add3A_555 : i32 to vector<16xi32>
      %add3A_557 = arith.addi %iota3A_554, %add3A_556 : vector<16xi32>
      %get3A_558 = arith.constant 128 : index
      %get3A_559 = tpu.vector_load %arg9[%get3A_558] {strides = array<i32>} : memref<144xi32, #tpu.memory_space<vmem>>, vector<16xi32>,
      %get3A_560 = vector.shape_cast %get3A_559 : vector<16xi32> to vector<16xi32>
      %get3A_561 = arith.constant 128 : index
      %get3A_562 = tpu.vector_load %arg10[%get3A_561] {strides = array<i32>} : memref<144xi32, #tpu.memory_space<vmem>>, vector<16xi32>,
      %get3A_563 = vector.shape_cast %get3A_562 : vector<16xi32> to vector<16xi32>
      %get3A_564 = arith.constant 128 : index
      %get3A_565 = tpu.vector_load %arg11[%get3A_564] {strides = array<i32>} : memref<144xi32, #tpu.memory_space<vmem>>, vector<16xi32>,
      %get3A_566 = vector.shape_cast %get3A_565 : vector<16xi32> to vector<16xi32>
      %get3A_567 = arith.constant 128 : index
      %get3A_568 = tpu.vector_load %arg12[%get3A_567] {strides = array<i32>} : memref<144xi32, #tpu.memory_space<vmem>>, vector<16xi32>,
      %get3A_569 = vector.shape_cast %get3A_568 : vector<16xi32> to vector<16xi32>
      %gt3A_570 = arith.constant 0 : i32
      %gt3A_571 = vector.broadcast %gt3A_570 : i32 to vector<16xi32>
      %gt3A_572 = arith.cmpi sgt, %get3A_560, %gt3A_571 : vector<16xi32>
      %gt3A_573 = arith.constant 0 : i32
      %gt3A_574 = vector.broadcast %gt3A_573 : i32 to vector<16xi32>
      %gt3A_575 = arith.cmpi sgt, %get3A_563, %gt3A_574 : vector<16xi32>
      %and3A_576 = arith.andi %gt3A_572, %gt3A_575 : vector<16xi1>
      %lt3A_577 = arith.constant 3 : i32
      %lt3A_578 = vector.broadcast %lt3A_577 : i32 to vector<16xi32>
      %lt3A_579 = arith.cmpi slt, %get3A_566, %lt3A_578 : vector<16xi32>
      %and3A_580 = arith.andi %and3A_576, %lt3A_579 : vector<16xi1>
      %lt3A_581 = arith.constant 140 : i32
      %lt3A_582 = vector.broadcast %lt3A_581 : i32 to vector<16xi32>
      %lt3A_583 = arith.cmpi slt, %add3A_557, %lt3A_582 : vector<16xi32>
      %and3A_584 = arith.andi %and3A_580, %lt3A_583 : vector<16xi1>
      %sub3A_585 = arith.constant 1 : i32
      %sub3A_586 = vector.broadcast %sub3A_585 : i32 to vector<16xi32>
      %sub3A_587 = arith.subi %get3A_560, %sub3A_586 : vector<16xi32>
      %mul3A_588 = arith.constant 384 : i32
      %mul3A_589 = vector.broadcast %mul3A_588 : i32 to vector<16xi32>
      %mul3A_590 = arith.muli %sub3A_587, %mul3A_589 : vector<16xi32>
      %sub3A_591 = arith.constant 1 : i32
      %sub3A_592 = vector.broadcast %sub3A_591 : i32 to vector<16xi32>
      %sub3A_593 = arith.subi %get3A_563, %sub3A_592 : vector<16xi32>
      %mul3A_594 = arith.constant 3 : i32
      %mul3A_595 = vector.broadcast %mul3A_594 : i32 to vector<16xi32>
      %mul3A_596 = arith.muli %sub3A_593, %mul3A_595 : vector<16xi32>
      %add3A_597 = arith.addi %mul3A_590, %mul3A_596 : vector<16xi32>
      %add3A_598 = arith.addi %add3A_597, %get3A_566 : vector<16xi32>
      %mul3A_599 = arith.constant 49152 : i32
      %mul3A_600 = arith.muli %add3A, %mul3A_599 : i32
      %jit3A_601 = arith.constant 0 : i32
      %broadcast_in_dim3A_602 = vector.broadcast %jit3A_601 : i32 to vector<16xi32>
      %select_n3A_603 = arith.select %and3A_584, %add3A_598, %broadcast_in_dim3A_602 : vector<16xi1>, vector<16xi32>
      %add3A_604 = vector.broadcast %mul3A_600 : i32 to vector<16xi32>
      %add3A_605 = arith.addi %add3A_604, %select_n3A_603 : vector<16xi32>
      %dma_start3A_606 = arith.constant 128 : i32
      %dma_start3A_607 = tpu.memref_slice %arg13[%dma_start3A_606] : memref<144xf32, #tpu.memory_space<vmem>> -> memref<16xf32, #tpu.memory_space<vmem>>
      %dma_start3A_608 = arith.constant 0 : i32
      %dma_start3A_609 = tpu.memref_slice %arg6[%dma_start3A_608] : memref<786432xf32, #tpu.memory_space<hbm>> -> memref<786432xf32, #tpu.memory_space<hbm>>
      tpu.enqueue_indirect_dma source(%dma_start3A_609 : memref<786432xf32, #tpu.memory_space<hbm>>) target(%dma_start3A_607 : memref<16xf32, #tpu.memory_space<vmem>>) offsets(%add3A_605 : vector<16xi32>) semaphore(%arg16 : memref<!tpu.dma_semaphore, #tpu.memory_space<semaphore_mem>>)
      %lt3A_610 = arith.constant 139 : i32
      %lt3A_611 = vector.broadcast %lt3A_610 : i32 to vector<16xi32>
      %lt3A_612 = arith.cmpi slt, %add3A_557, %lt3A_611 : vector<16xi32>
      %mul3A_613 = arith.constant 8 : i32
      %mul3A_614 = vector.broadcast %mul3A_613 : i32 to vector<16xi32>
      %mul3A_615 = arith.muli %get3A_566, %mul3A_614 : vector<16xi32>
      %add3A_616 = arith.addi %mul3A_615, %get3A_569 : vector<16xi32>
      %jit3A_617 = arith.constant 0 : i32
      %broadcast_in_dim3A_618 = vector.broadcast %jit3A_617 : i32 to vector<16xi32>
      %select_n3A_619 = arith.select %lt3A_612, %add3A_616, %broadcast_in_dim3A_618 : vector<16xi1>, vector<16xi32>
      %dma_start3A_620 = arith.constant 128 : i32
      %dma_start3A_621 = tpu.memref_slice %arg14[%dma_start3A_620] : memref<144xf32, #tpu.memory_space<vmem>> -> memref<16xf32, #tpu.memory_space<vmem>>
      %dma_start3A_622 = arith.constant 0 : i32
      %dma_start3A_623 = tpu.memref_slice %arg7[%dma_start3A_622] : memref<64xf32, #tpu.memory_space<hbm>> -> memref<64xf32, #tpu.memory_space<hbm>>
      tpu.enqueue_indirect_dma source(%dma_start3A_623 : memref<64xf32, #tpu.memory_space<hbm>>) target(%dma_start3A_621 : memref<16xf32, #tpu.memory_space<vmem>>) offsets(%select_n3A_619 : vector<16xi32>) semaphore(%arg16 : memref<!tpu.dma_semaphore, #tpu.memory_space<semaphore_mem>>)
      %dma_wait3A = arith.constant 0 : i32
      %dma_wait3A_624 = tpu.memref_slice %arg13[%dma_wait3A] : memref<144xf32, #tpu.memory_space<vmem>> -> memref<16xf32, #tpu.memory_space<vmem>>
      %dma_wait3A_625 = arith.constant 0 : i32
      %dma_wait3A_626 = tpu.memref_slice %arg6[%dma_wait3A_625] : memref<786432xf32, #tpu.memory_space<hbm>> -> memref<786432xf32, #tpu.memory_space<hbm>>
      tpu.wait_indirect_dma semaphore(%arg16 : memref<!tpu.dma_semaphore, #tpu.memory_space<semaphore_mem>>) src(%dma_wait3A_626 : memref<786432xf32, #tpu.memory_space<hbm>>) dst(%dma_wait3A_624 : memref<16xf32, #tpu.memory_space<vmem>>)
      %dma_wait3A_627 = arith.constant 0 : i32
      %dma_wait3A_628 = tpu.memref_slice %arg14[%dma_wait3A_627] : memref<144xf32, #tpu.memory_space<vmem>> -> memref<16xf32, #tpu.memory_space<vmem>>
      %dma_wait3A_629 = arith.constant 0 : i32
      %dma_wait3A_630 = tpu.memref_slice %arg7[%dma_wait3A_629] : memref<64xf32, #tpu.memory_space<hbm>> -> memref<64xf32, #tpu.memory_space<hbm>>
      tpu.wait_indirect_dma semaphore(%arg16 : memref<!tpu.dma_semaphore, #tpu.memory_space<semaphore_mem>>) src(%dma_wait3A_630 : memref<64xf32, #tpu.memory_space<hbm>>) dst(%dma_wait3A_628 : memref<16xf32, #tpu.memory_space<vmem>>)
      %dma_wait3A_631 = arith.constant 16 : i32
      %dma_wait3A_632 = tpu.memref_slice %arg13[%dma_wait3A_631] : memref<144xf32, #tpu.memory_space<vmem>> -> memref<16xf32, #tpu.memory_space<vmem>>
      %dma_wait3A_633 = arith.constant 0 : i32
      %dma_wait3A_634 = tpu.memref_slice %arg6[%dma_wait3A_633] : memref<786432xf32, #tpu.memory_space<hbm>> -> memref<786432xf32, #tpu.memory_space<hbm>>
      tpu.wait_indirect_dma semaphore(%arg16 : memref<!tpu.dma_semaphore, #tpu.memory_space<semaphore_mem>>) src(%dma_wait3A_634 : memref<786432xf32, #tpu.memory_space<hbm>>) dst(%dma_wait3A_632 : memref<16xf32, #tpu.memory_space<vmem>>)
      %dma_wait3A_635 = arith.constant 16 : i32
      %dma_wait3A_636 = tpu.memref_slice %arg14[%dma_wait3A_635] : memref<144xf32, #tpu.memory_space<vmem>> -> memref<16xf32, #tpu.memory_space<vmem>>
      %dma_wait3A_637 = arith.constant 0 : i32
      %dma_wait3A_638 = tpu.memref_slice %arg7[%dma_wait3A_637] : memref<64xf32, #tpu.memory_space<hbm>> -> memref<64xf32, #tpu.memory_space<hbm>>
      tpu.wait_indirect_dma semaphore(%arg16 : memref<!tpu.dma_semaphore, #tpu.memory_space<semaphore_mem>>) src(%dma_wait3A_638 : memref<64xf32, #tpu.memory_space<hbm>>) dst(%dma_wait3A_636 : memref<16xf32, #tpu.memory_space<vmem>>)
      %dma_wait3A_639 = arith.constant 32 : i32
      %dma_wait3A_640 = tpu.memref_slice %arg13[%dma_wait3A_639] : memref<144xf32, #tpu.memory_space<vmem>> -> memref<16xf32, #tpu.memory_space<vmem>>
      %dma_wait3A_641 = arith.constant 0 : i32
      %dma_wait3A_642 = tpu.memref_slice %arg6[%dma_wait3A_641] : memref<786432xf32, #tpu.memory_space<hbm>> -> memref<786432xf32, #tpu.memory_space<hbm>>
      tpu.wait_indirect_dma semaphore(%arg16 : memref<!tpu.dma_semaphore, #tpu.memory_space<semaphore_mem>>) src(%dma_wait3A_642 : memref<786432xf32, #tpu.memory_space<hbm>>) dst(%dma_wait3A_640 : memref<16xf32, #tpu.memory_space<vmem>>)
      %dma_wait3A_643 = arith.constant 32 : i32
      %dma_wait3A_644 = tpu.memref_slice %arg14[%dma_wait3A_643] : memref<144xf32, #tpu.memory_space<vmem>> -> memref<16xf32, #tpu.memory_space<vmem>>
      %dma_wait3A_645 = arith.constant 0 : i32
      %dma_wait3A_646 = tpu.memref_slice %arg7[%dma_wait3A_645] : memref<64xf32, #tpu.memory_space<hbm>> -> memref<64xf32, #tpu.memory_space<hbm>>
      tpu.wait_indirect_dma semaphore(%arg16 : memref<!tpu.dma_semaphore, #tpu.memory_space<semaphore_mem>>) src(%dma_wait3A_646 : memref<64xf32, #tpu.memory_space<hbm>>) dst(%dma_wait3A_644 : memref<16xf32, #tpu.memory_space<vmem>>)
      %dma_wait3A_647 = arith.constant 48 : i32
      %dma_wait3A_648 = tpu.memref_slice %arg13[%dma_wait3A_647] : memref<144xf32, #tpu.memory_space<vmem>> -> memref<16xf32, #tpu.memory_space<vmem>>
      %dma_wait3A_649 = arith.constant 0 : i32
      %dma_wait3A_650 = tpu.memref_slice %arg6[%dma_wait3A_649] : memref<786432xf32, #tpu.memory_space<hbm>> -> memref<786432xf32, #tpu.memory_space<hbm>>
      tpu.wait_indirect_dma semaphore(%arg16 : memref<!tpu.dma_semaphore, #tpu.memory_space<semaphore_mem>>) src(%dma_wait3A_650 : memref<786432xf32, #tpu.memory_space<hbm>>) dst(%dma_wait3A_648 : memref<16xf32, #tpu.memory_space<vmem>>)
      %dma_wait3A_651 = arith.constant 48 : i32
      %dma_wait3A_652 = tpu.memref_slice %arg14[%dma_wait3A_651] : memref<144xf32, #tpu.memory_space<vmem>> -> memref<16xf32, #tpu.memory_space<vmem>>
      %dma_wait3A_653 = arith.constant 0 : i32
      %dma_wait3A_654 = tpu.memref_slice %arg7[%dma_wait3A_653] : memref<64xf32, #tpu.memory_space<hbm>> -> memref<64xf32, #tpu.memory_space<hbm>>
      tpu.wait_indirect_dma semaphore(%arg16 : memref<!tpu.dma_semaphore, #tpu.memory_space<semaphore_mem>>) src(%dma_wait3A_654 : memref<64xf32, #tpu.memory_space<hbm>>) dst(%dma_wait3A_652 : memref<16xf32, #tpu.memory_space<vmem>>)
      %dma_wait3A_655 = arith.constant 64 : i32
      %dma_wait3A_656 = tpu.memref_slice %arg13[%dma_wait3A_655] : memref<144xf32, #tpu.memory_space<vmem>> -> memref<16xf32, #tpu.memory_space<vmem>>
      %dma_wait3A_657 = arith.constant 0 : i32
      %dma_wait3A_658 = tpu.memref_slice %arg6[%dma_wait3A_657] : memref<786432xf32, #tpu.memory_space<hbm>> -> memref<786432xf32, #tpu.memory_space<hbm>>
      tpu.wait_indirect_dma semaphore(%arg16 : memref<!tpu.dma_semaphore, #tpu.memory_space<semaphore_mem>>) src(%dma_wait3A_658 : memref<786432xf32, #tpu.memory_space<hbm>>) dst(%dma_wait3A_656 : memref<16xf32, #tpu.memory_space<vmem>>)
      %dma_wait3A_659 = arith.constant 64 : i32
      %dma_wait3A_660 = tpu.memref_slice %arg14[%dma_wait3A_659] : memref<144xf32, #tpu.memory_space<vmem>> -> memref<16xf32, #tpu.memory_space<vmem>>
      %dma_wait3A_661 = arith.constant 0 : i32
      %dma_wait3A_662 = tpu.memref_slice %arg7[%dma_wait3A_661] : memref<64xf32, #tpu.memory_space<hbm>> -> memref<64xf32, #tpu.memory_space<hbm>>
      tpu.wait_indirect_dma semaphore(%arg16 : memref<!tpu.dma_semaphore, #tpu.memory_space<semaphore_mem>>) src(%dma_wait3A_662 : memref<64xf32, #tpu.memory_space<hbm>>) dst(%dma_wait3A_660 : memref<16xf32, #tpu.memory_space<vmem>>)
      %dma_wait3A_663 = arith.constant 80 : i32
      %dma_wait3A_664 = tpu.memref_slice %arg13[%dma_wait3A_663] : memref<144xf32, #tpu.memory_space<vmem>> -> memref<16xf32, #tpu.memory_space<vmem>>
      %dma_wait3A_665 = arith.constant 0 : i32
      %dma_wait3A_666 = tpu.memref_slice %arg6[%dma_wait3A_665] : memref<786432xf32, #tpu.memory_space<hbm>> -> memref<786432xf32, #tpu.memory_space<hbm>>
      tpu.wait_indirect_dma semaphore(%arg16 : memref<!tpu.dma_semaphore, #tpu.memory_space<semaphore_mem>>) src(%dma_wait3A_666 : memref<786432xf32, #tpu.memory_space<hbm>>) dst(%dma_wait3A_664 : memref<16xf32, #tpu.memory_space<vmem>>)
      %dma_wait3A_667 = arith.constant 80 : i32
      %dma_wait3A_668 = tpu.memref_slice %arg14[%dma_wait3A_667] : memref<144xf32, #tpu.memory_space<vmem>> -> memref<16xf32, #tpu.memory_space<vmem>>
      %dma_wait3A_669 = arith.constant 0 : i32
      %dma_wait3A_670 = tpu.memref_slice %arg7[%dma_wait3A_669] : memref<64xf32, #tpu.memory_space<hbm>> -> memref<64xf32, #tpu.memory_space<hbm>>
      tpu.wait_indirect_dma semaphore(%arg16 : memref<!tpu.dma_semaphore, #tpu.memory_space<semaphore_mem>>) src(%dma_wait3A_670 : memref<64xf32, #tpu.memory_space<hbm>>) dst(%dma_wait3A_668 : memref<16xf32, #tpu.memory_space<vmem>>)
      %dma_wait3A_671 = arith.constant 96 : i32
      %dma_wait3A_672 = tpu.memref_slice %arg13[%dma_wait3A_671] : memref<144xf32, #tpu.memory_space<vmem>> -> memref<16xf32, #tpu.memory_space<vmem>>
      %dma_wait3A_673 = arith.constant 0 : i32
      %dma_wait3A_674 = tpu.memref_slice %arg6[%dma_wait3A_673] : memref<786432xf32, #tpu.memory_space<hbm>> -> memref<786432xf32, #tpu.memory_space<hbm>>
      tpu.wait_indirect_dma semaphore(%arg16 : memref<!tpu.dma_semaphore, #tpu.memory_space<semaphore_mem>>) src(%dma_wait3A_674 : memref<786432xf32, #tpu.memory_space<hbm>>) dst(%dma_wait3A_672 : memref<16xf32, #tpu.memory_space<vmem>>)
      %dma_wait3A_675 = arith.constant 96 : i32
      %dma_wait3A_676 = tpu.memref_slice %arg14[%dma_wait3A_675] : memref<144xf32, #tpu.memory_space<vmem>> -> memref<16xf32, #tpu.memory_space<vmem>>
      %dma_wait3A_677 = arith.constant 0 : i32
      %dma_wait3A_678 = tpu.memref_slice %arg7[%dma_wait3A_677] : memref<64xf32, #tpu.memory_space<hbm>> -> memref<64xf32, #tpu.memory_space<hbm>>
      tpu.wait_indirect_dma semaphore(%arg16 : memref<!tpu.dma_semaphore, #tpu.memory_space<semaphore_mem>>) src(%dma_wait3A_678 : memref<64xf32, #tpu.memory_space<hbm>>) dst(%dma_wait3A_676 : memref<16xf32, #tpu.memory_space<vmem>>)
      %dma_wait3A_679 = arith.constant 112 : i32
      %dma_wait3A_680 = tpu.memref_slice %arg13[%dma_wait3A_679] : memref<144xf32, #tpu.memory_space<vmem>> -> memref<16xf32, #tpu.memory_space<vmem>>
      %dma_wait3A_681 = arith.constant 0 : i32
      %dma_wait3A_682 = tpu.memref_slice %arg6[%dma_wait3A_681] : memref<786432xf32, #tpu.memory_space<hbm>> -> memref<786432xf32, #tpu.memory_space<hbm>>
      tpu.wait_indirect_dma semaphore(%arg16 : memref<!tpu.dma_semaphore, #tpu.memory_space<semaphore_mem>>) src(%dma_wait3A_682 : memref<786432xf32, #tpu.memory_space<hbm>>) dst(%dma_wait3A_680 : memref<16xf32, #tpu.memory_space<vmem>>)
      %dma_wait3A_683 = arith.constant 112 : i32
      %dma_wait3A_684 = tpu.memref_slice %arg14[%dma_wait3A_683] : memref<144xf32, #tpu.memory_space<vmem>> -> memref<16xf32, #tpu.memory_space<vmem>>
      %dma_wait3A_685 = arith.constant 0 : i32
      %dma_wait3A_686 = tpu.memref_slice %arg7[%dma_wait3A_685] : memref<64xf32, #tpu.memory_space<hbm>> -> memref<64xf32, #tpu.memory_space<hbm>>
      tpu.wait_indirect_dma semaphore(%arg16 : memref<!tpu.dma_semaphore, #tpu.memory_space<semaphore_mem>>) src(%dma_wait3A_686 : memref<64xf32, #tpu.memory_space<hbm>>) dst(%dma_wait3A_684 : memref<16xf32, #tpu.memory_space<vmem>>)
      %dma_wait3A_687 = arith.constant 128 : i32
      %dma_wait3A_688 = tpu.memref_slice %arg13[%dma_wait3A_687] : memref<144xf32, #tpu.memory_space<vmem>> -> memref<16xf32, #tpu.memory_space<vmem>>
      %dma_wait3A_689 = arith.constant 0 : i32
      %dma_wait3A_690 = tpu.memref_slice %arg6[%dma_wait3A_689] : memref<786432xf32, #tpu.memory_space<hbm>> -> memref<786432xf32, #tpu.memory_space<hbm>>
      tpu.wait_indirect_dma semaphore(%arg16 : memref<!tpu.dma_semaphore, #tpu.memory_space<semaphore_mem>>) src(%dma_wait3A_690 : memref<786432xf32, #tpu.memory_space<hbm>>) dst(%dma_wait3A_688 : memref<16xf32, #tpu.memory_space<vmem>>)
      %dma_wait3A_691 = arith.constant 128 : i32
      %dma_wait3A_692 = tpu.memref_slice %arg14[%dma_wait3A_691] : memref<144xf32, #tpu.memory_space<vmem>> -> memref<16xf32, #tpu.memory_space<vmem>>
      %dma_wait3A_693 = arith.constant 0 : i32
      %dma_wait3A_694 = tpu.memref_slice %arg7[%dma_wait3A_693] : memref<64xf32, #tpu.memory_space<hbm>> -> memref<64xf32, #tpu.memory_space<hbm>>
      tpu.wait_indirect_dma semaphore(%arg16 : memref<!tpu.dma_semaphore, #tpu.memory_space<semaphore_mem>>) src(%dma_wait3A_694 : memref<64xf32, #tpu.memory_space<hbm>>) dst(%dma_wait3A_692 : memref<16xf32, #tpu.memory_space<vmem>>)
      %broadcast_in_dim3A_695 = arith.constant 0.000000e+00 : f32
      %broadcast_in_dim3A_696 = vector.broadcast %broadcast_in_dim3A_695 : f32 to vector<16xf32>
      %iota3A_697 = tpu.iota {dimensions = array<i32: 0>} : vector<16xi32>
      %add3A_698 = arith.constant 0 : i32
      %add3A_699 = vector.broadcast %add3A_698 : i32 to vector<16xi32>
      %add3A_700 = arith.addi %iota3A_697, %add3A_699 : vector<16xi32>
      %get3A_701 = arith.constant 0 : index
      %get3A_702 = tpu.vector_load %arg9[%get3A_701] {strides = array<i32>} : memref<144xi32, #tpu.memory_space<vmem>>, vector<16xi32>,
      %get3A_703 = vector.shape_cast %get3A_702 : vector<16xi32> to vector<16xi32>
      %get3A_704 = arith.constant 0 : index
      %get3A_705 = tpu.vector_load %arg10[%get3A_704] {strides = array<i32>} : memref<144xi32, #tpu.memory_space<vmem>>, vector<16xi32>,
      %get3A_706 = vector.shape_cast %get3A_705 : vector<16xi32> to vector<16xi32>
      %get3A_707 = arith.constant 0 : index
      %get3A_708 = tpu.vector_load %arg11[%get3A_707] {strides = array<i32>} : memref<144xi32, #tpu.memory_space<vmem>>, vector<16xi32>,
      %get3A_709 = vector.shape_cast %get3A_708 : vector<16xi32> to vector<16xi32>
      %gt3A_710 = arith.constant 0 : i32
      %gt3A_711 = vector.broadcast %gt3A_710 : i32 to vector<16xi32>
      %gt3A_712 = arith.cmpi sgt, %get3A_703, %gt3A_711 : vector<16xi32>
      %gt3A_713 = arith.constant 0 : i32
      %gt3A_714 = vector.broadcast %gt3A_713 : i32 to vector<16xi32>
      %gt3A_715 = arith.cmpi sgt, %get3A_706, %gt3A_714 : vector<16xi32>
      %and3A_716 = arith.andi %gt3A_712, %gt3A_715 : vector<16xi1>
      %lt3A_717 = arith.constant 3 : i32
      %lt3A_718 = vector.broadcast %lt3A_717 : i32 to vector<16xi32>
      %lt3A_719 = arith.cmpi slt, %get3A_709, %lt3A_718 : vector<16xi32>
      %and3A_720 = arith.andi %and3A_716, %lt3A_719 : vector<16xi1>
      %lt3A_721 = arith.constant 140 : i32
      %lt3A_722 = vector.broadcast %lt3A_721 : i32 to vector<16xi32>
      %lt3A_723 = arith.cmpi slt, %add3A_700, %lt3A_722 : vector<16xi32>
      %and3A_724 = arith.andi %and3A_720, %lt3A_723 : vector<16xi1>
      %get3A_725 = arith.constant 0 : index
      %get3A_726 = tpu.vector_load %arg13[%get3A_725] {strides = array<i32>} : memref<144xf32, #tpu.memory_space<vmem>>, vector<16xf32>,
      %get3A_727 = vector.shape_cast %get3A_726 : vector<16xf32> to vector<16xf32>
      %jit3A_728 = arith.constant 0.000000e+00 : f32
      %broadcast_in_dim3A_729 = vector.broadcast %jit3A_728 : f32 to vector<16xf32>
      %select_n3A_730 = arith.select %and3A_724, %get3A_727, %broadcast_in_dim3A_729 : vector<16xi1>, vector<16xf32>
      %add3A_731 = arith.addf %broadcast_in_dim3A_696, %select_n3A_730 : vector<16xf32>
      %lt3A_732 = arith.constant 139 : i32
      %lt3A_733 = vector.broadcast %lt3A_732 : i32 to vector<16xi32>
      %lt3A_734 = arith.cmpi slt, %add3A_700, %lt3A_733 : vector<16xi32>
      %get3A_735 = arith.constant 0 : index
      %get3A_736 = tpu.vector_load %arg14[%get3A_735] {strides = array<i32>} : memref<144xf32, #tpu.memory_space<vmem>>, vector<16xf32>,
      %get3A_737 = vector.shape_cast %get3A_736 : vector<16xf32> to vector<16xf32>
      %jit3A_738 = arith.constant 0.000000e+00 : f32
      %broadcast_in_dim3A_739 = vector.broadcast %jit3A_738 : f32 to vector<16xf32>
      %select_n3A_740 = arith.select %lt3A_734, %get3A_737, %broadcast_in_dim3A_739 : vector<16xi1>, vector<16xf32>
      %add3A_741 = arith.addf %add3A_731, %select_n3A_740 : vector<16xf32>
      %iota3A_742 = tpu.iota {dimensions = array<i32: 0>} : vector<16xi32>
      %add3A_743 = arith.constant 16 : i32
      %add3A_744 = vector.broadcast %add3A_743 : i32 to vector<16xi32>
      %add3A_745 = arith.addi %iota3A_742, %add3A_744 : vector<16xi32>
      %get3A_746 = arith.constant 16 : index
      %get3A_747 = tpu.vector_load %arg9[%get3A_746] {strides = array<i32>} : memref<144xi32, #tpu.memory_space<vmem>>, vector<16xi32>,
      %get3A_748 = vector.shape_cast %get3A_747 : vector<16xi32> to vector<16xi32>
      %get3A_749 = arith.constant 16 : index
      %get3A_750 = tpu.vector_load %arg10[%get3A_749] {strides = array<i32>} : memref<144xi32, #tpu.memory_space<vmem>>, vector<16xi32>,
      %get3A_751 = vector.shape_cast %get3A_750 : vector<16xi32> to vector<16xi32>
      %get3A_752 = arith.constant 16 : index
      %get3A_753 = tpu.vector_load %arg11[%get3A_752] {strides = array<i32>} : memref<144xi32, #tpu.memory_space<vmem>>, vector<16xi32>,
      %get3A_754 = vector.shape_cast %get3A_753 : vector<16xi32> to vector<16xi32>
      %gt3A_755 = arith.constant 0 : i32
      %gt3A_756 = vector.broadcast %gt3A_755 : i32 to vector<16xi32>
      %gt3A_757 = arith.cmpi sgt, %get3A_748, %gt3A_756 : vector<16xi32>
      %gt3A_758 = arith.constant 0 : i32
      %gt3A_759 = vector.broadcast %gt3A_758 : i32 to vector<16xi32>
      %gt3A_760 = arith.cmpi sgt, %get3A_751, %gt3A_759 : vector<16xi32>
      %and3A_761 = arith.andi %gt3A_757, %gt3A_760 : vector<16xi1>
      %lt3A_762 = arith.constant 3 : i32
      %lt3A_763 = vector.broadcast %lt3A_762 : i32 to vector<16xi32>
      %lt3A_764 = arith.cmpi slt, %get3A_754, %lt3A_763 : vector<16xi32>
      %and3A_765 = arith.andi %and3A_761, %lt3A_764 : vector<16xi1>
      %lt3A_766 = arith.constant 140 : i32
      %lt3A_767 = vector.broadcast %lt3A_766 : i32 to vector<16xi32>
      %lt3A_768 = arith.cmpi slt, %add3A_745, %lt3A_767 : vector<16xi32>
      %and3A_769 = arith.andi %and3A_765, %lt3A_768 : vector<16xi1>
      %get3A_770 = arith.constant 16 : index
      %get3A_771 = tpu.vector_load %arg13[%get3A_770] {strides = array<i32>} : memref<144xf32, #tpu.memory_space<vmem>>, vector<16xf32>,
      %get3A_772 = vector.shape_cast %get3A_771 : vector<16xf32> to vector<16xf32>
      %jit3A_773 = arith.constant 0.000000e+00 : f32
      %broadcast_in_dim3A_774 = vector.broadcast %jit3A_773 : f32 to vector<16xf32>
      %select_n3A_775 = arith.select %and3A_769, %get3A_772, %broadcast_in_dim3A_774 : vector<16xi1>, vector<16xf32>
      %add3A_776 = arith.addf %add3A_741, %select_n3A_775 : vector<16xf32>
      %lt3A_777 = arith.constant 139 : i32
      %lt3A_778 = vector.broadcast %lt3A_777 : i32 to vector<16xi32>
      %lt3A_779 = arith.cmpi slt, %add3A_745, %lt3A_778 : vector<16xi32>
      %get3A_780 = arith.constant 16 : index
      %get3A_781 = tpu.vector_load %arg14[%get3A_780] {strides = array<i32>} : memref<144xf32, #tpu.memory_space<vmem>>, vector<16xf32>,
      %get3A_782 = vector.shape_cast %get3A_781 : vector<16xf32> to vector<16xf32>
      %jit3A_783 = arith.constant 0.000000e+00 : f32
      %broadcast_in_dim3A_784 = vector.broadcast %jit3A_783 : f32 to vector<16xf32>
      %select_n3A_785 = arith.select %lt3A_779, %get3A_782, %broadcast_in_dim3A_784 : vector<16xi1>, vector<16xf32>
      %add3A_786 = arith.addf %add3A_776, %select_n3A_785 : vector<16xf32>
      %iota3A_787 = tpu.iota {dimensions = array<i32: 0>} : vector<16xi32>
      %add3A_788 = arith.constant 32 : i32
      %add3A_789 = vector.broadcast %add3A_788 : i32 to vector<16xi32>
      %add3A_790 = arith.addi %iota3A_787, %add3A_789 : vector<16xi32>
      %get3A_791 = arith.constant 32 : index
      %get3A_792 = tpu.vector_load %arg9[%get3A_791] {strides = array<i32>} : memref<144xi32, #tpu.memory_space<vmem>>, vector<16xi32>,
      %get3A_793 = vector.shape_cast %get3A_792 : vector<16xi32> to vector<16xi32>
      %get3A_794 = arith.constant 32 : index
      %get3A_795 = tpu.vector_load %arg10[%get3A_794] {strides = array<i32>} : memref<144xi32, #tpu.memory_space<vmem>>, vector<16xi32>,
      %get3A_796 = vector.shape_cast %get3A_795 : vector<16xi32> to vector<16xi32>
      %get3A_797 = arith.constant 32 : index
      %get3A_798 = tpu.vector_load %arg11[%get3A_797] {strides = array<i32>} : memref<144xi32, #tpu.memory_space<vmem>>, vector<16xi32>,
      %get3A_799 = vector.shape_cast %get3A_798 : vector<16xi32> to vector<16xi32>
      %gt3A_800 = arith.constant 0 : i32
      %gt3A_801 = vector.broadcast %gt3A_800 : i32 to vector<16xi32>
      %gt3A_802 = arith.cmpi sgt, %get3A_793, %gt3A_801 : vector<16xi32>
      %gt3A_803 = arith.constant 0 : i32
      %gt3A_804 = vector.broadcast %gt3A_803 : i32 to vector<16xi32>
      %gt3A_805 = arith.cmpi sgt, %get3A_796, %gt3A_804 : vector<16xi32>
      %and3A_806 = arith.andi %gt3A_802, %gt3A_805 : vector<16xi1>
      %lt3A_807 = arith.constant 3 : i32
      %lt3A_808 = vector.broadcast %lt3A_807 : i32 to vector<16xi32>
      %lt3A_809 = arith.cmpi slt, %get3A_799, %lt3A_808 : vector<16xi32>
      %and3A_810 = arith.andi %and3A_806, %lt3A_809 : vector<16xi1>
      %lt3A_811 = arith.constant 140 : i32
      %lt3A_812 = vector.broadcast %lt3A_811 : i32 to vector<16xi32>
      %lt3A_813 = arith.cmpi slt, %add3A_790, %lt3A_812 : vector<16xi32>
      %and3A_814 = arith.andi %and3A_810, %lt3A_813 : vector<16xi1>
      %get3A_815 = arith.constant 32 : index
      %get3A_816 = tpu.vector_load %arg13[%get3A_815] {strides = array<i32>} : memref<144xf32, #tpu.memory_space<vmem>>, vector<16xf32>,
      %get3A_817 = vector.shape_cast %get3A_816 : vector<16xf32> to vector<16xf32>
      %jit3A_818 = arith.constant 0.000000e+00 : f32
      %broadcast_in_dim3A_819 = vector.broadcast %jit3A_818 : f32 to vector<16xf32>
      %select_n3A_820 = arith.select %and3A_814, %get3A_817, %broadcast_in_dim3A_819 : vector<16xi1>, vector<16xf32>
      %add3A_821 = arith.addf %add3A_786, %select_n3A_820 : vector<16xf32>
      %lt3A_822 = arith.constant 139 : i32
      %lt3A_823 = vector.broadcast %lt3A_822 : i32 to vector<16xi32>
      %lt3A_824 = arith.cmpi slt, %add3A_790, %lt3A_823 : vector<16xi32>
      %get3A_825 = arith.constant 32 : index
      %get3A_826 = tpu.vector_load %arg14[%get3A_825] {strides = array<i32>} : memref<144xf32, #tpu.memory_space<vmem>>, vector<16xf32>,
      %get3A_827 = vector.shape_cast %get3A_826 : vector<16xf32> to vector<16xf32>
      %jit3A_828 = arith.constant 0.000000e+00 : f32
      %broadcast_in_dim3A_829 = vector.broadcast %jit3A_828 : f32 to vector<16xf32>
      %select_n3A_830 = arith.select %lt3A_824, %get3A_827, %broadcast_in_dim3A_829 : vector<16xi1>, vector<16xf32>
      %add3A_831 = arith.addf %add3A_821, %select_n3A_830 : vector<16xf32>
      %iota3A_832 = tpu.iota {dimensions = array<i32: 0>} : vector<16xi32>
      %add3A_833 = arith.constant 48 : i32
      %add3A_834 = vector.broadcast %add3A_833 : i32 to vector<16xi32>
      %add3A_835 = arith.addi %iota3A_832, %add3A_834 : vector<16xi32>
      %get3A_836 = arith.constant 48 : index
      %get3A_837 = tpu.vector_load %arg9[%get3A_836] {strides = array<i32>} : memref<144xi32, #tpu.memory_space<vmem>>, vector<16xi32>,
      %get3A_838 = vector.shape_cast %get3A_837 : vector<16xi32> to vector<16xi32>
      %get3A_839 = arith.constant 48 : index
      %get3A_840 = tpu.vector_load %arg10[%get3A_839] {strides = array<i32>} : memref<144xi32, #tpu.memory_space<vmem>>, vector<16xi32>,
      %get3A_841 = vector.shape_cast %get3A_840 : vector<16xi32> to vector<16xi32>
      %get3A_842 = arith.constant 48 : index
      %get3A_843 = tpu.vector_load %arg11[%get3A_842] {strides = array<i32>} : memref<144xi32, #tpu.memory_space<vmem>>, vector<16xi32>,
      %get3A_844 = vector.shape_cast %get3A_843 : vector<16xi32> to vector<16xi32>
      %gt3A_845 = arith.constant 0 : i32
      %gt3A_846 = vector.broadcast %gt3A_845 : i32 to vector<16xi32>
      %gt3A_847 = arith.cmpi sgt, %get3A_838, %gt3A_846 : vector<16xi32>
      %gt3A_848 = arith.constant 0 : i32
      %gt3A_849 = vector.broadcast %gt3A_848 : i32 to vector<16xi32>
      %gt3A_850 = arith.cmpi sgt, %get3A_841, %gt3A_849 : vector<16xi32>
      %and3A_851 = arith.andi %gt3A_847, %gt3A_850 : vector<16xi1>
      %lt3A_852 = arith.constant 3 : i32
      %lt3A_853 = vector.broadcast %lt3A_852 : i32 to vector<16xi32>
      %lt3A_854 = arith.cmpi slt, %get3A_844, %lt3A_853 : vector<16xi32>
      %and3A_855 = arith.andi %and3A_851, %lt3A_854 : vector<16xi1>
      %lt3A_856 = arith.constant 140 : i32
      %lt3A_857 = vector.broadcast %lt3A_856 : i32 to vector<16xi32>
      %lt3A_858 = arith.cmpi slt, %add3A_835, %lt3A_857 : vector<16xi32>
      %and3A_859 = arith.andi %and3A_855, %lt3A_858 : vector<16xi1>
      %get3A_860 = arith.constant 48 : index
      %get3A_861 = tpu.vector_load %arg13[%get3A_860] {strides = array<i32>} : memref<144xf32, #tpu.memory_space<vmem>>, vector<16xf32>,
      %get3A_862 = vector.shape_cast %get3A_861 : vector<16xf32> to vector<16xf32>
      %jit3A_863 = arith.constant 0.000000e+00 : f32
      %broadcast_in_dim3A_864 = vector.broadcast %jit3A_863 : f32 to vector<16xf32>
      %select_n3A_865 = arith.select %and3A_859, %get3A_862, %broadcast_in_dim3A_864 : vector<16xi1>, vector<16xf32>
      %add3A_866 = arith.addf %add3A_831, %select_n3A_865 : vector<16xf32>
      %lt3A_867 = arith.constant 139 : i32
      %lt3A_868 = vector.broadcast %lt3A_867 : i32 to vector<16xi32>
      %lt3A_869 = arith.cmpi slt, %add3A_835, %lt3A_868 : vector<16xi32>
      %get3A_870 = arith.constant 48 : index
      %get3A_871 = tpu.vector_load %arg14[%get3A_870] {strides = array<i32>} : memref<144xf32, #tpu.memory_space<vmem>>, vector<16xf32>,
      %get3A_872 = vector.shape_cast %get3A_871 : vector<16xf32> to vector<16xf32>
      %jit3A_873 = arith.constant 0.000000e+00 : f32
      %broadcast_in_dim3A_874 = vector.broadcast %jit3A_873 : f32 to vector<16xf32>
      %select_n3A_875 = arith.select %lt3A_869, %get3A_872, %broadcast_in_dim3A_874 : vector<16xi1>, vector<16xf32>
      %add3A_876 = arith.addf %add3A_866, %select_n3A_875 : vector<16xf32>
      %iota3A_877 = tpu.iota {dimensions = array<i32: 0>} : vector<16xi32>
      %add3A_878 = arith.constant 64 : i32
      %add3A_879 = vector.broadcast %add3A_878 : i32 to vector<16xi32>
      %add3A_880 = arith.addi %iota3A_877, %add3A_879 : vector<16xi32>
      %get3A_881 = arith.constant 64 : index
      %get3A_882 = tpu.vector_load %arg9[%get3A_881] {strides = array<i32>} : memref<144xi32, #tpu.memory_space<vmem>>, vector<16xi32>,
      %get3A_883 = vector.shape_cast %get3A_882 : vector<16xi32> to vector<16xi32>
      %get3A_884 = arith.constant 64 : index
      %get3A_885 = tpu.vector_load %arg10[%get3A_884] {strides = array<i32>} : memref<144xi32, #tpu.memory_space<vmem>>, vector<16xi32>,
      %get3A_886 = vector.shape_cast %get3A_885 : vector<16xi32> to vector<16xi32>
      %get3A_887 = arith.constant 64 : index
      %get3A_888 = tpu.vector_load %arg11[%get3A_887] {strides = array<i32>} : memref<144xi32, #tpu.memory_space<vmem>>, vector<16xi32>,
      %get3A_889 = vector.shape_cast %get3A_888 : vector<16xi32> to vector<16xi32>
      %gt3A_890 = arith.constant 0 : i32
      %gt3A_891 = vector.broadcast %gt3A_890 : i32 to vector<16xi32>
      %gt3A_892 = arith.cmpi sgt, %get3A_883, %gt3A_891 : vector<16xi32>
      %gt3A_893 = arith.constant 0 : i32
      %gt3A_894 = vector.broadcast %gt3A_893 : i32 to vector<16xi32>
      %gt3A_895 = arith.cmpi sgt, %get3A_886, %gt3A_894 : vector<16xi32>
      %and3A_896 = arith.andi %gt3A_892, %gt3A_895 : vector<16xi1>
      %lt3A_897 = arith.constant 3 : i32
      %lt3A_898 = vector.broadcast %lt3A_897 : i32 to vector<16xi32>
      %lt3A_899 = arith.cmpi slt, %get3A_889, %lt3A_898 : vector<16xi32>
      %and3A_900 = arith.andi %and3A_896, %lt3A_899 : vector<16xi1>
      %lt3A_901 = arith.constant 140 : i32
      %lt3A_902 = vector.broadcast %lt3A_901 : i32 to vector<16xi32>
      %lt3A_903 = arith.cmpi slt, %add3A_880, %lt3A_902 : vector<16xi32>
      %and3A_904 = arith.andi %and3A_900, %lt3A_903 : vector<16xi1>
      %get3A_905 = arith.constant 64 : index
      %get3A_906 = tpu.vector_load %arg13[%get3A_905] {strides = array<i32>} : memref<144xf32, #tpu.memory_space<vmem>>, vector<16xf32>,
      %get3A_907 = vector.shape_cast %get3A_906 : vector<16xf32> to vector<16xf32>
      %jit3A_908 = arith.constant 0.000000e+00 : f32
      %broadcast_in_dim3A_909 = vector.broadcast %jit3A_908 : f32 to vector<16xf32>
      %select_n3A_910 = arith.select %and3A_904, %get3A_907, %broadcast_in_dim3A_909 : vector<16xi1>, vector<16xf32>
      %add3A_911 = arith.addf %add3A_876, %select_n3A_910 : vector<16xf32>
      %lt3A_912 = arith.constant 139 : i32
      %lt3A_913 = vector.broadcast %lt3A_912 : i32 to vector<16xi32>
      %lt3A_914 = arith.cmpi slt, %add3A_880, %lt3A_913 : vector<16xi32>
      %get3A_915 = arith.constant 64 : index
      %get3A_916 = tpu.vector_load %arg14[%get3A_915] {strides = array<i32>} : memref<144xf32, #tpu.memory_space<vmem>>, vector<16xf32>,
      %get3A_917 = vector.shape_cast %get3A_916 : vector<16xf32> to vector<16xf32>
      %jit3A_918 = arith.constant 0.000000e+00 : f32
      %broadcast_in_dim3A_919 = vector.broadcast %jit3A_918 : f32 to vector<16xf32>
      %select_n3A_920 = arith.select %lt3A_914, %get3A_917, %broadcast_in_dim3A_919 : vector<16xi1>, vector<16xf32>
      %add3A_921 = arith.addf %add3A_911, %select_n3A_920 : vector<16xf32>
      %iota3A_922 = tpu.iota {dimensions = array<i32: 0>} : vector<16xi32>
      %add3A_923 = arith.constant 80 : i32
      %add3A_924 = vector.broadcast %add3A_923 : i32 to vector<16xi32>
      %add3A_925 = arith.addi %iota3A_922, %add3A_924 : vector<16xi32>
      %get3A_926 = arith.constant 80 : index
      %get3A_927 = tpu.vector_load %arg9[%get3A_926] {strides = array<i32>} : memref<144xi32, #tpu.memory_space<vmem>>, vector<16xi32>,
      %get3A_928 = vector.shape_cast %get3A_927 : vector<16xi32> to vector<16xi32>
      %get3A_929 = arith.constant 80 : index
      %get3A_930 = tpu.vector_load %arg10[%get3A_929] {strides = array<i32>} : memref<144xi32, #tpu.memory_space<vmem>>, vector<16xi32>,
      %get3A_931 = vector.shape_cast %get3A_930 : vector<16xi32> to vector<16xi32>
      %get3A_932 = arith.constant 80 : index
      %get3A_933 = tpu.vector_load %arg11[%get3A_932] {strides = array<i32>} : memref<144xi32, #tpu.memory_space<vmem>>, vector<16xi32>,
      %get3A_934 = vector.shape_cast %get3A_933 : vector<16xi32> to vector<16xi32>
      %gt3A_935 = arith.constant 0 : i32
      %gt3A_936 = vector.broadcast %gt3A_935 : i32 to vector<16xi32>
      %gt3A_937 = arith.cmpi sgt, %get3A_928, %gt3A_936 : vector<16xi32>
      %gt3A_938 = arith.constant 0 : i32
      %gt3A_939 = vector.broadcast %gt3A_938 : i32 to vector<16xi32>
      %gt3A_940 = arith.cmpi sgt, %get3A_931, %gt3A_939 : vector<16xi32>
      %and3A_941 = arith.andi %gt3A_937, %gt3A_940 : vector<16xi1>
      %lt3A_942 = arith.constant 3 : i32
      %lt3A_943 = vector.broadcast %lt3A_942 : i32 to vector<16xi32>
      %lt3A_944 = arith.cmpi slt, %get3A_934, %lt3A_943 : vector<16xi32>
      %and3A_945 = arith.andi %and3A_941, %lt3A_944 : vector<16xi1>
      %lt3A_946 = arith.constant 140 : i32
      %lt3A_947 = vector.broadcast %lt3A_946 : i32 to vector<16xi32>
      %lt3A_948 = arith.cmpi slt, %add3A_925, %lt3A_947 : vector<16xi32>
      %and3A_949 = arith.andi %and3A_945, %lt3A_948 : vector<16xi1>
      %get3A_950 = arith.constant 80 : index
      %get3A_951 = tpu.vector_load %arg13[%get3A_950] {strides = array<i32>} : memref<144xf32, #tpu.memory_space<vmem>>, vector<16xf32>,
      %get3A_952 = vector.shape_cast %get3A_951 : vector<16xf32> to vector<16xf32>
      %jit3A_953 = arith.constant 0.000000e+00 : f32
      %broadcast_in_dim3A_954 = vector.broadcast %jit3A_953 : f32 to vector<16xf32>
      %select_n3A_955 = arith.select %and3A_949, %get3A_952, %broadcast_in_dim3A_954 : vector<16xi1>, vector<16xf32>
      %add3A_956 = arith.addf %add3A_921, %select_n3A_955 : vector<16xf32>
      %lt3A_957 = arith.constant 139 : i32
      %lt3A_958 = vector.broadcast %lt3A_957 : i32 to vector<16xi32>
      %lt3A_959 = arith.cmpi slt, %add3A_925, %lt3A_958 : vector<16xi32>
      %get3A_960 = arith.constant 80 : index
      %get3A_961 = tpu.vector_load %arg14[%get3A_960] {strides = array<i32>} : memref<144xf32, #tpu.memory_space<vmem>>, vector<16xf32>,
      %get3A_962 = vector.shape_cast %get3A_961 : vector<16xf32> to vector<16xf32>
      %jit3A_963 = arith.constant 0.000000e+00 : f32
      %broadcast_in_dim3A_964 = vector.broadcast %jit3A_963 : f32 to vector<16xf32>
      %select_n3A_965 = arith.select %lt3A_959, %get3A_962, %broadcast_in_dim3A_964 : vector<16xi1>, vector<16xf32>
      %add3A_966 = arith.addf %add3A_956, %select_n3A_965 : vector<16xf32>
      %iota3A_967 = tpu.iota {dimensions = array<i32: 0>} : vector<16xi32>
      %add3A_968 = arith.constant 96 : i32
      %add3A_969 = vector.broadcast %add3A_968 : i32 to vector<16xi32>
      %add3A_970 = arith.addi %iota3A_967, %add3A_969 : vector<16xi32>
      %get3A_971 = arith.constant 96 : index
      %get3A_972 = tpu.vector_load %arg9[%get3A_971] {strides = array<i32>} : memref<144xi32, #tpu.memory_space<vmem>>, vector<16xi32>,
      %get3A_973 = vector.shape_cast %get3A_972 : vector<16xi32> to vector<16xi32>
      %get3A_974 = arith.constant 96 : index
      %get3A_975 = tpu.vector_load %arg10[%get3A_974] {strides = array<i32>} : memref<144xi32, #tpu.memory_space<vmem>>, vector<16xi32>,
      %get3A_976 = vector.shape_cast %get3A_975 : vector<16xi32> to vector<16xi32>
      %get3A_977 = arith.constant 96 : index
      %get3A_978 = tpu.vector_load %arg11[%get3A_977] {strides = array<i32>} : memref<144xi32, #tpu.memory_space<vmem>>, vector<16xi32>,
      %get3A_979 = vector.shape_cast %get3A_978 : vector<16xi32> to vector<16xi32>
      %gt3A_980 = arith.constant 0 : i32
      %gt3A_981 = vector.broadcast %gt3A_980 : i32 to vector<16xi32>
      %gt3A_982 = arith.cmpi sgt, %get3A_973, %gt3A_981 : vector<16xi32>
      %gt3A_983 = arith.constant 0 : i32
      %gt3A_984 = vector.broadcast %gt3A_983 : i32 to vector<16xi32>
      %gt3A_985 = arith.cmpi sgt, %get3A_976, %gt3A_984 : vector<16xi32>
      %and3A_986 = arith.andi %gt3A_982, %gt3A_985 : vector<16xi1>
      %lt3A_987 = arith.constant 3 : i32
      %lt3A_988 = vector.broadcast %lt3A_987 : i32 to vector<16xi32>
      %lt3A_989 = arith.cmpi slt, %get3A_979, %lt3A_988 : vector<16xi32>
      %and3A_990 = arith.andi %and3A_986, %lt3A_989 : vector<16xi1>
      %lt3A_991 = arith.constant 140 : i32
      %lt3A_992 = vector.broadcast %lt3A_991 : i32 to vector<16xi32>
      %lt3A_993 = arith.cmpi slt, %add3A_970, %lt3A_992 : vector<16xi32>
      %and3A_994 = arith.andi %and3A_990, %lt3A_993 : vector<16xi1>
      %get3A_995 = arith.constant 96 : index
      %get3A_996 = tpu.vector_load %arg13[%get3A_995] {strides = array<i32>} : memref<144xf32, #tpu.memory_space<vmem>>, vector<16xf32>,
      %get3A_997 = vector.shape_cast %get3A_996 : vector<16xf32> to vector<16xf32>
      %jit3A_998 = arith.constant 0.000000e+00 : f32
      %broadcast_in_dim3A_999 = vector.broadcast %jit3A_998 : f32 to vector<16xf32>
      %select_n3A_1000 = arith.select %and3A_994, %get3A_997, %broadcast_in_dim3A_999 : vector<16xi1>, vector<16xf32>
      %add3A_1001 = arith.addf %add3A_966, %select_n3A_1000 : vector<16xf32>
      %lt3A_1002 = arith.constant 139 : i32
      %lt3A_1003 = vector.broadcast %lt3A_1002 : i32 to vector<16xi32>
      %lt3A_1004 = arith.cmpi slt, %add3A_970, %lt3A_1003 : vector<16xi32>
      %get3A_1005 = arith.constant 96 : index
      %get3A_1006 = tpu.vector_load %arg14[%get3A_1005] {strides = array<i32>} : memref<144xf32, #tpu.memory_space<vmem>>, vector<16xf32>,
      %get3A_1007 = vector.shape_cast %get3A_1006 : vector<16xf32> to vector<16xf32>
      %jit3A_1008 = arith.constant 0.000000e+00 : f32
      %broadcast_in_dim3A_1009 = vector.broadcast %jit3A_1008 : f32 to vector<16xf32>
      %select_n3A_1010 = arith.select %lt3A_1004, %get3A_1007, %broadcast_in_dim3A_1009 : vector<16xi1>, vector<16xf32>
      %add3A_1011 = arith.addf %add3A_1001, %select_n3A_1010 : vector<16xf32>
      %iota3A_1012 = tpu.iota {dimensions = array<i32: 0>} : vector<16xi32>
      %add3A_1013 = arith.constant 112 : i32
      %add3A_1014 = vector.broadcast %add3A_1013 : i32 to vector<16xi32>
      %add3A_1015 = arith.addi %iota3A_1012, %add3A_1014 : vector<16xi32>
      %get3A_1016 = arith.constant 112 : index
      %get3A_1017 = tpu.vector_load %arg9[%get3A_1016] {strides = array<i32>} : memref<144xi32, #tpu.memory_space<vmem>>, vector<16xi32>,
      %get3A_1018 = vector.shape_cast %get3A_1017 : vector<16xi32> to vector<16xi32>
      %get3A_1019 = arith.constant 112 : index
      %get3A_1020 = tpu.vector_load %arg10[%get3A_1019] {strides = array<i32>} : memref<144xi32, #tpu.memory_space<vmem>>, vector<16xi32>,
      %get3A_1021 = vector.shape_cast %get3A_1020 : vector<16xi32> to vector<16xi32>
      %get3A_1022 = arith.constant 112 : index
      %get3A_1023 = tpu.vector_load %arg11[%get3A_1022] {strides = array<i32>} : memref<144xi32, #tpu.memory_space<vmem>>, vector<16xi32>,
      %get3A_1024 = vector.shape_cast %get3A_1023 : vector<16xi32> to vector<16xi32>
      %gt3A_1025 = arith.constant 0 : i32
      %gt3A_1026 = vector.broadcast %gt3A_1025 : i32 to vector<16xi32>
      %gt3A_1027 = arith.cmpi sgt, %get3A_1018, %gt3A_1026 : vector<16xi32>
      %gt3A_1028 = arith.constant 0 : i32
      %gt3A_1029 = vector.broadcast %gt3A_1028 : i32 to vector<16xi32>
      %gt3A_1030 = arith.cmpi sgt, %get3A_1021, %gt3A_1029 : vector<16xi32>
      %and3A_1031 = arith.andi %gt3A_1027, %gt3A_1030 : vector<16xi1>
      %lt3A_1032 = arith.constant 3 : i32
      %lt3A_1033 = vector.broadcast %lt3A_1032 : i32 to vector<16xi32>
      %lt3A_1034 = arith.cmpi slt, %get3A_1024, %lt3A_1033 : vector<16xi32>
      %and3A_1035 = arith.andi %and3A_1031, %lt3A_1034 : vector<16xi1>
      %lt3A_1036 = arith.constant 140 : i32
      %lt3A_1037 = vector.broadcast %lt3A_1036 : i32 to vector<16xi32>
      %lt3A_1038 = arith.cmpi slt, %add3A_1015, %lt3A_1037 : vector<16xi32>
      %and3A_1039 = arith.andi %and3A_1035, %lt3A_1038 : vector<16xi1>
      %get3A_1040 = arith.constant 112 : index
      %get3A_1041 = tpu.vector_load %arg13[%get3A_1040] {strides = array<i32>} : memref<144xf32, #tpu.memory_space<vmem>>, vector<16xf32>,
      %get3A_1042 = vector.shape_cast %get3A_1041 : vector<16xf32> to vector<16xf32>
      %jit3A_1043 = arith.constant 0.000000e+00 : f32
      %broadcast_in_dim3A_1044 = vector.broadcast %jit3A_1043 : f32 to vector<16xf32>
      %select_n3A_1045 = arith.select %and3A_1039, %get3A_1042, %broadcast_in_dim3A_1044 : vector<16xi1>, vector<16xf32>
      %add3A_1046 = arith.addf %add3A_1011, %select_n3A_1045 : vector<16xf32>
      %lt3A_1047 = arith.constant 139 : i32
      %lt3A_1048 = vector.broadcast %lt3A_1047 : i32 to vector<16xi32>
      %lt3A_1049 = arith.cmpi slt, %add3A_1015, %lt3A_1048 : vector<16xi32>
      %get3A_1050 = arith.constant 112 : index
      %get3A_1051 = tpu.vector_load %arg14[%get3A_1050] {strides = array<i32>} : memref<144xf32, #tpu.memory_space<vmem>>, vector<16xf32>,
      %get3A_1052 = vector.shape_cast %get3A_1051 : vector<16xf32> to vector<16xf32>
      %jit3A_1053 = arith.constant 0.000000e+00 : f32
      %broadcast_in_dim3A_1054 = vector.broadcast %jit3A_1053 : f32 to vector<16xf32>
      %select_n3A_1055 = arith.select %lt3A_1049, %get3A_1052, %broadcast_in_dim3A_1054 : vector<16xi1>, vector<16xf32>
      %add3A_1056 = arith.addf %add3A_1046, %select_n3A_1055 : vector<16xf32>
      %iota3A_1057 = tpu.iota {dimensions = array<i32: 0>} : vector<16xi32>
      %add3A_1058 = arith.constant 128 : i32
      %add3A_1059 = vector.broadcast %add3A_1058 : i32 to vector<16xi32>
      %add3A_1060 = arith.addi %iota3A_1057, %add3A_1059 : vector<16xi32>
      %get3A_1061 = arith.constant 128 : index
      %get3A_1062 = tpu.vector_load %arg9[%get3A_1061] {strides = array<i32>} : memref<144xi32, #tpu.memory_space<vmem>>, vector<16xi32>,
      %get3A_1063 = vector.shape_cast %get3A_1062 : vector<16xi32> to vector<16xi32>
      %get3A_1064 = arith.constant 128 : index
      %get3A_1065 = tpu.vector_load %arg10[%get3A_1064] {strides = array<i32>} : memref<144xi32, #tpu.memory_space<vmem>>, vector<16xi32>,
      %get3A_1066 = vector.shape_cast %get3A_1065 : vector<16xi32> to vector<16xi32>
      %get3A_1067 = arith.constant 128 : index
      %get3A_1068 = tpu.vector_load %arg11[%get3A_1067] {strides = array<i32>} : memref<144xi32, #tpu.memory_space<vmem>>, vector<16xi32>,
      %get3A_1069 = vector.shape_cast %get3A_1068 : vector<16xi32> to vector<16xi32>
      %gt3A_1070 = arith.constant 0 : i32
      %gt3A_1071 = vector.broadcast %gt3A_1070 : i32 to vector<16xi32>
      %gt3A_1072 = arith.cmpi sgt, %get3A_1063, %gt3A_1071 : vector<16xi32>
      %gt3A_1073 = arith.constant 0 : i32
      %gt3A_1074 = vector.broadcast %gt3A_1073 : i32 to vector<16xi32>
      %gt3A_1075 = arith.cmpi sgt, %get3A_1066, %gt3A_1074 : vector<16xi32>
      %and3A_1076 = arith.andi %gt3A_1072, %gt3A_1075 : vector<16xi1>
      %lt3A_1077 = arith.constant 3 : i32
      %lt3A_1078 = vector.broadcast %lt3A_1077 : i32 to vector<16xi32>
      %lt3A_1079 = arith.cmpi slt, %get3A_1069, %lt3A_1078 : vector<16xi32>
      %and3A_1080 = arith.andi %and3A_1076, %lt3A_1079 : vector<16xi1>
      %lt3A_1081 = arith.constant 140 : i32
      %lt3A_1082 = vector.broadcast %lt3A_1081 : i32 to vector<16xi32>
      %lt3A_1083 = arith.cmpi slt, %add3A_1060, %lt3A_1082 : vector<16xi32>
      %and3A_1084 = arith.andi %and3A_1080, %lt3A_1083 : vector<16xi1>
      %get3A_1085 = arith.constant 128 : index
      %get3A_1086 = tpu.vector_load %arg13[%get3A_1085] {strides = array<i32>} : memref<144xf32, #tpu.memory_space<vmem>>, vector<16xf32>,
      %get3A_1087 = vector.shape_cast %get3A_1086 : vector<16xf32> to vector<16xf32>
      %jit3A_1088 = arith.constant 0.000000e+00 : f32
      %broadcast_in_dim3A_1089 = vector.broadcast %jit3A_1088 : f32 to vector<16xf32>
      %select_n3A_1090 = arith.select %and3A_1084, %get3A_1087, %broadcast_in_dim3A_1089 : vector<16xi1>, vector<16xf32>
      %add3A_1091 = arith.addf %add3A_1056, %select_n3A_1090 : vector<16xf32>
      %lt3A_1092 = arith.constant 139 : i32
      %lt3A_1093 = vector.broadcast %lt3A_1092 : i32 to vector<16xi32>
      %lt3A_1094 = arith.cmpi slt, %add3A_1060, %lt3A_1093 : vector<16xi32>
      %get3A_1095 = arith.constant 128 : index
      %get3A_1096 = tpu.vector_load %arg14[%get3A_1095] {strides = array<i32>} : memref<144xf32, #tpu.memory_space<vmem>>, vector<16xf32>,
      %get3A_1097 = vector.shape_cast %get3A_1096 : vector<16xf32> to vector<16xf32>
      %jit3A_1098 = arith.constant 0.000000e+00 : f32
      %broadcast_in_dim3A_1099 = vector.broadcast %jit3A_1098 : f32 to vector<16xf32>
      %select_n3A_1100 = arith.select %lt3A_1094, %get3A_1097, %broadcast_in_dim3A_1099 : vector<16xi1>, vector<16xf32>
      %add3A_1101 = arith.addf %add3A_1091, %select_n3A_1100 : vector<16xf32>
      %swap3A = arith.constant 0 : index
      %swap3A_1102 = tpu.vector_load %arg15[%swap3A] {strides = array<i32>} : memref<16xf32, #tpu.memory_space<vmem>>, vector<16xf32>,
      %swap3A_1103 = vector.shape_cast %swap3A_1102 : vector<16xf32> to vector<16xf32>
      %swap3A_1104 = vector.shape_cast %add3A_1101 : vector<16xf32> to vector<16xf32>
      tpu.vector_store %arg15[%swap3A], %swap3A_1104 {strides = array<i32>} : memref<16xf32, #tpu.memory_space<vmem>>, vector<16xf32>,
      "tpu.region"() ({
        %run_scoped3A = tpu.sem_alloc : memref<!tpu.dma_semaphore, #tpu.memory_space<semaphore_mem>>
        %dma_start3A_1105 = arith.constant 0 : i32
        %dma_start3A_1106 = tpu.memref_slice %arg8[%add3A, %dma_start3A_1105] : memref<16x16xf32, #tpu.memory_space<hbm>> -> memref<1x16xf32, #tpu.memory_space<hbm>>
        %dma_start3A_1107 = tpu.memref_squeeze %dma_start3A_1106 : memref<1x16xf32, #tpu.memory_space<hbm>> -> memref<16xf32, #tpu.memory_space<hbm>>
        %dma_start3A_1108 = arith.constant 0 : i32
        %dma_start3A_1109 = tpu.memref_slice %arg8[%add3A, %dma_start3A_1108] : memref<16x16xf32, #tpu.memory_space<hbm>> -> memref<1x16xf32, #tpu.memory_space<hbm>>
        %dma_start3A_1110 = tpu.memref_squeeze %dma_start3A_1109 : memref<1x16xf32, #tpu.memory_space<hbm>> -> memref<16xf32, #tpu.memory_space<hbm>>
        tpu.enqueue_dma source(%arg15 : memref<16xf32, #tpu.memory_space<vmem>>) target(%dma_start3A_1110 : memref<16xf32, #tpu.memory_space<hbm>>) target_semaphore(%run_scoped3A : memref<!tpu.dma_semaphore, #tpu.memory_space<semaphore_mem>>)
        %dma_wait3A_1111 = arith.constant 0 : i32
        %dma_wait3A_1112 = tpu.memref_slice %arg8[%add3A, %dma_wait3A_1111] : memref<16x16xf32, #tpu.memory_space<hbm>> -> memref<1x16xf32, #tpu.memory_space<hbm>>
        %dma_wait3A_1113 = tpu.memref_squeeze %dma_wait3A_1112 : memref<1x16xf32, #tpu.memory_space<hbm>> -> memref<16xf32, #tpu.memory_space<hbm>>
        %dma_wait3A_1114 = arith.constant 0 : i32
        %dma_wait3A_1115 = tpu.memref_slice %arg8[%add3A, %dma_wait3A_1114] : memref<16x16xf32, #tpu.memory_space<hbm>> -> memref<1x16xf32, #tpu.memory_space<hbm>>
        %dma_wait3A_1116 = tpu.memref_squeeze %dma_wait3A_1115 : memref<1x16xf32, #tpu.memory_space<hbm>> -> memref<16xf32, #tpu.memory_space<hbm>>
        tpu.wait_dma2 semaphore(%run_scoped3A : memref<!tpu.dma_semaphore, #tpu.memory_space<semaphore_mem>>) src(%arg15 : memref<16xf32, #tpu.memory_space<vmem>>) dst(%dma_wait3A_1116 : memref<16xf32, #tpu.memory_space<hbm>>)
        tpu.yield
      }) : () -> ()
    } else {
    }
    return
  }
}

module attributes {stable_mosaic.version = 14 : i64} {
  func.func @_dp_body(%arg0: memref<3x128x16x128xf32, #tpu.memory_space<vmem>>, %arg1: memref<5x5xf32, #tpu.memory_space<smem>>, %arg2: memref<16x1xi32, #tpu.memory_space<vmem>>, %arg3: memref<16x1xi32, #tpu.memory_space<vmem>>, %arg4: memref<16x1xf32, #tpu.memory_space<vmem>>) attributes {dimension_semantics = [], scalar_prefetch = 0 : i64, scratch_operands = 0 : i64, tpu.core_type = #tpu.core_type<tc>} {
    %get3A = arith.constant 0 : index
    %get3A_0 = arith.constant 0 : index
    %get3A_1 = memref.load %arg1[%get3A, %get3A_0] : memref<5x5xf32, #tpu.memory_space<smem>>
    %get3A_2 = arith.constant 1 : index
    %get3A_3 = arith.constant 0 : index
    %get3A_4 = memref.load %arg1[%get3A_2, %get3A_3] : memref<5x5xf32, #tpu.memory_space<smem>>
    %get3A_5 = arith.constant 2 : index
    %get3A_6 = arith.constant 0 : index
    %get3A_7 = memref.load %arg1[%get3A_5, %get3A_6] : memref<5x5xf32, #tpu.memory_space<smem>>
    %get3A_8 = arith.constant 3 : index
    %get3A_9 = arith.constant 0 : index
    %get3A_10 = memref.load %arg1[%get3A_8, %get3A_9] : memref<5x5xf32, #tpu.memory_space<smem>>
    %get3A_11 = arith.constant 0 : index
    %get3A_12 = arith.constant 1 : index
    %get3A_13 = memref.load %arg1[%get3A_11, %get3A_12] : memref<5x5xf32, #tpu.memory_space<smem>>
    %get3A_14 = arith.constant 1 : index
    %get3A_15 = arith.constant 1 : index
    %get3A_16 = memref.load %arg1[%get3A_14, %get3A_15] : memref<5x5xf32, #tpu.memory_space<smem>>
    %get3A_17 = arith.constant 2 : index
    %get3A_18 = arith.constant 1 : index
    %get3A_19 = memref.load %arg1[%get3A_17, %get3A_18] : memref<5x5xf32, #tpu.memory_space<smem>>
    %get3A_20 = arith.constant 0 : index
    %get3A_21 = arith.constant 2 : index
    %get3A_22 = memref.load %arg1[%get3A_20, %get3A_21] : memref<5x5xf32, #tpu.memory_space<smem>>
    %get3A_23 = arith.constant 1 : index
    %get3A_24 = arith.constant 2 : index
    %get3A_25 = memref.load %arg1[%get3A_23, %get3A_24] : memref<5x5xf32, #tpu.memory_space<smem>>
    %get3A_26 = arith.constant 2 : index
    %get3A_27 = arith.constant 2 : index
    %get3A_28 = memref.load %arg1[%get3A_26, %get3A_27] : memref<5x5xf32, #tpu.memory_space<smem>>
    %get3A_29 = arith.constant 0 : index
    %get3A_30 = arith.constant 4 : index
    %get3A_31 = memref.load %arg1[%get3A_29, %get3A_30] : memref<5x5xf32, #tpu.memory_space<smem>>
    %get3A_32 = arith.constant 1 : index
    %get3A_33 = arith.constant 4 : index
    %get3A_34 = memref.load %arg1[%get3A_32, %get3A_33] : memref<5x5xf32, #tpu.memory_space<smem>>
    %get3A_35 = arith.constant 2 : index
    %get3A_36 = arith.constant 4 : index
    %get3A_37 = memref.load %arg1[%get3A_35, %get3A_36] : memref<5x5xf32, #tpu.memory_space<smem>>
    %iota3A = tpu.iota {dimensions = array<i32: 1>} : vector<16x128xi32>
    %get3A_38 = arith.constant 0 : index
    %get3A_39 = arith.constant 0 : index
    %get3A_40 = vector.load %arg2[%get3A_38, %get3A_39] : memref<16x1xi32, #tpu.memory_space<vmem>>, vector<16x1xi32>
    %get3A_41 = arith.constant 0 : index
    %get3A_42 = arith.constant 0 : index
    %get3A_43 = vector.load %arg3[%get3A_41, %get3A_42] : memref<16x1xi32, #tpu.memory_space<vmem>>, vector<16x1xi32>
    %sub3A = arith.constant 1 : i32
    %sub3A_44 = vector.broadcast %sub3A : i32 to vector<16x1xi32>
    %sub3A_45 = arith.subi %get3A_43, %sub3A_44 : vector<16x1xi32>
    %eq3A = vector.broadcast %sub3A_45 : vector<16x1xi32> to vector<16x128xi32>
    %eq3A_46 = arith.cmpi eq, %iota3A, %eq3A : vector<16x128xi32>
    %get3A_47 = arith.constant 0 : index
    %get3A_48 = arith.constant 0 : index
    %get3A_49 = arith.constant 0 : index
    %get3A_50 = arith.constant 0 : index
    %get3A_51 = vector.load %arg0[%get3A_47, %get3A_48, %get3A_49, %get3A_50] : memref<3x128x16x128xf32, #tpu.memory_space<vmem>>, vector<1x1x16x128xf32>
    %get3A_52 = vector.shape_cast %get3A_51 : vector<1x1x16x128xf32> to vector<16x128xf32>
    %mul3A = arith.constant 0.000000e+00 : f32
    %mul3A_53 = vector.broadcast %mul3A : f32 to vector<16x128xf32>
    %mul3A_54 = arith.mulf %get3A_52, %mul3A_53 : vector<16x128xf32>
    %add3A = arith.constant 1.000000e+00 : f32
    %add3A_55 = vector.broadcast %add3A : f32 to vector<16x128xf32>
    %add3A_56 = arith.addf %mul3A_54, %add3A_55 : vector<16x128xf32>
    %scan3A = arith.constant 0 : i32
    %scan3A_57 = arith.constant 128 : i32
    %scan3A_58 = arith.addi %scan3A, %scan3A_57 : i32
    %scan3A_59 = arith.constant 1 : i32
    %scan3A_60:9 = scf.for %scan3A_80 = %scan3A to %scan3A_58 step %scan3A_59 iter_args(%scan3A_81 = %mul3A_54, %scan3A_82 = %mul3A_54, %scan3A_83 = %mul3A_54, %scan3A_84 = %add3A_56, %scan3A_85 = %mul3A_54, %scan3A_86 = %mul3A_54, %scan3A_87 = %mul3A_54, %scan3A_88 = %mul3A_54, %scan3A_89 = %mul3A_54) -> (vector<16x128xf32>, vector<16x128xf32>, vector<16x128xf32>, vector<16x128xf32>, vector<16x128xf32>, vector<16x128xf32>, vector<16x128xf32>, vector<16x128xf32>, vector<16x128xf32>)  : i32 {
      %div3A = arith.constant 1.000000e+00 : f32
      %div3A_90 = vector.broadcast %div3A : f32 to vector<16x128xf32>
      %div3A_91 = arith.divf %div3A_90, %scan3A_84 : vector<16x128xf32>
      %log3A_92 = math.log %scan3A_84 : vector<16x128xf32>
      %sub3A_93 = arith.subf %scan3A_85, %log3A_92 : vector<16x128xf32>
      %mul3A_94 = arith.mulf %scan3A_81, %div3A_91 : vector<16x128xf32>
      %mul3A_95 = arith.mulf %scan3A_82, %div3A_91 : vector<16x128xf32>
      %mul3A_96 = arith.mulf %scan3A_83, %div3A_91 : vector<16x128xf32>
      %get3A_97 = arith.constant 0 : index
      %get3A_98 = arith.index_cast %scan3A_80 : i32 to index
      %get3A_99 = arith.constant 0 : index
      %get3A_100 = arith.constant 0 : index
      %get3A_101 = vector.load %arg0[%get3A_97, %get3A_98, %get3A_99, %get3A_100] : memref<3x128x16x128xf32, #tpu.memory_space<vmem>>, vector<1x1x16x128xf32>
      %get3A_102 = vector.shape_cast %get3A_101 : vector<1x1x16x128xf32> to vector<16x128xf32>
      %exp3A = math.exp %get3A_102 : vector<16x128xf32>
      %get3A_103 = arith.constant 1 : index
      %get3A_104 = arith.index_cast %scan3A_80 : i32 to index
      %get3A_105 = arith.constant 0 : index
      %get3A_106 = arith.constant 0 : index
      %get3A_107 = vector.load %arg0[%get3A_103, %get3A_104, %get3A_105, %get3A_106] : memref<3x128x16x128xf32, #tpu.memory_space<vmem>>, vector<1x1x16x128xf32>
      %get3A_108 = vector.shape_cast %get3A_107 : vector<1x1x16x128xf32> to vector<16x128xf32>
      %exp3A_109 = math.exp %get3A_108 : vector<16x128xf32>
      %get3A_110 = arith.constant 2 : index
      %get3A_111 = arith.index_cast %scan3A_80 : i32 to index
      %get3A_112 = arith.constant 0 : index
      %get3A_113 = arith.constant 0 : index
      %get3A_114 = vector.load %arg0[%get3A_110, %get3A_111, %get3A_112, %get3A_113] : memref<3x128x16x128xf32, #tpu.memory_space<vmem>>, vector<1x1x16x128xf32>
      %get3A_115 = vector.shape_cast %get3A_114 : vector<1x1x16x128xf32> to vector<16x128xf32>
      %exp3A_116 = math.exp %get3A_115 : vector<16x128xf32>
      %slice3A_117 = vector.extract_strided_slice %mul3A_94 {offsets = [0, 127], sizes = [16, 1], strides = [1, 1]} : vector<16x128xf32> to vector<16x1xf32>
      %slice3A_118 = vector.extract_strided_slice %mul3A_94 {offsets = [0, 0], sizes = [16, 127], strides = [1, 1]} : vector<16x128xf32> to vector<16x127xf32>
      %concatenate3A = tpu.concatenate %slice3A_117, %slice3A_118 in 1 : vector<16x1xf32>, vector<16x127xf32> -> vector<16x128xf32>
      %lt3A = arith.constant 1 : i32
      %lt3A_119 = vector.broadcast %lt3A : i32 to vector<16x128xi32>
      %lt3A_120 = arith.cmpi slt, %iota3A, %lt3A_119 : vector<16x128xi32>
      %jit3A = arith.constant 0.000000e+00 : f32
      %broadcast_in_dim3A_121 = vector.broadcast %jit3A : f32 to vector<16x128xf32>
      %select_n3A = arith.select %lt3A_120, %broadcast_in_dim3A_121, %concatenate3A : vector<16x128xi1>, vector<16x128xf32>
      %slice3A_122 = vector.extract_strided_slice %mul3A_95 {offsets = [0, 127], sizes = [16, 1], strides = [1, 1]} : vector<16x128xf32> to vector<16x1xf32>
      %slice3A_123 = vector.extract_strided_slice %mul3A_95 {offsets = [0, 0], sizes = [16, 127], strides = [1, 1]} : vector<16x128xf32> to vector<16x127xf32>
      %concatenate3A_124 = tpu.concatenate %slice3A_122, %slice3A_123 in 1 : vector<16x1xf32>, vector<16x127xf32> -> vector<16x128xf32>
      %lt3A_125 = arith.constant 1 : i32
      %lt3A_126 = vector.broadcast %lt3A_125 : i32 to vector<16x128xi32>
      %lt3A_127 = arith.cmpi slt, %iota3A, %lt3A_126 : vector<16x128xi32>
      %jit3A_128 = arith.constant 0.000000e+00 : f32
      %broadcast_in_dim3A_129 = vector.broadcast %jit3A_128 : f32 to vector<16x128xf32>
      %select_n3A_130 = arith.select %lt3A_127, %broadcast_in_dim3A_129, %concatenate3A_124 : vector<16x128xi1>, vector<16x128xf32>
      %slice3A_131 = vector.extract_strided_slice %mul3A_96 {offsets = [0, 127], sizes = [16, 1], strides = [1, 1]} : vector<16x128xf32> to vector<16x1xf32>
      %slice3A_132 = vector.extract_strided_slice %mul3A_96 {offsets = [0, 0], sizes = [16, 127], strides = [1, 1]} : vector<16x128xf32> to vector<16x127xf32>
      %concatenate3A_133 = tpu.concatenate %slice3A_131, %slice3A_132 in 1 : vector<16x1xf32>, vector<16x127xf32> -> vector<16x128xf32>
      %lt3A_134 = arith.constant 1 : i32
      %lt3A_135 = vector.broadcast %lt3A_134 : i32 to vector<16x128xi32>
      %lt3A_136 = arith.cmpi slt, %iota3A, %lt3A_135 : vector<16x128xi32>
      %jit3A_137 = arith.constant 0.000000e+00 : f32
      %broadcast_in_dim3A_138 = vector.broadcast %jit3A_137 : f32 to vector<16x128xf32>
      %select_n3A_139 = arith.select %lt3A_136, %broadcast_in_dim3A_138, %concatenate3A_133 : vector<16x128xi1>, vector<16x128xf32>
      %eq3A_140 = arith.constant 0 : i32
      %eq3A_141 = arith.cmpi eq, %scan3A_80, %eq3A_140 : i32
      %eq3A_142 = arith.constant 0 : i32
      %eq3A_143 = vector.broadcast %eq3A_142 : i32 to vector<16x128xi32>
      %eq3A_144 = arith.cmpi eq, %iota3A, %eq3A_143 : vector<16x128xi32>
      %and3A = vector.broadcast %eq3A_141 : i1 to vector<16x128xi1>
      %and3A_145 = arith.andi %and3A, %eq3A_144 : vector<16x128xi1>
      %jit3A_146 = arith.constant 0.000000e+00 : f32
      %broadcast_in_dim3A_147 = vector.broadcast %get3A_10 : f32 to vector<16x128xf32>
      %broadcast_in_dim3A_148 = vector.broadcast %jit3A_146 : f32 to vector<16x128xf32>
      %select_n3A_149 = arith.select %and3A_145, %broadcast_in_dim3A_147, %broadcast_in_dim3A_148 : vector<16x128xi1>, vector<16x128xf32>
      %mul3A_150 = vector.broadcast %get3A_1 : f32 to vector<16x128xf32>
      %mul3A_151 = arith.mulf %select_n3A, %mul3A_150 : vector<16x128xf32>
      %mul3A_152 = vector.broadcast %get3A_4 : f32 to vector<16x128xf32>
      %mul3A_153 = arith.mulf %select_n3A_130, %mul3A_152 : vector<16x128xf32>
      %add3A_154 = arith.addf %mul3A_151, %mul3A_153 : vector<16x128xf32>
      %mul3A_155 = vector.broadcast %get3A_7 : f32 to vector<16x128xf32>
      %mul3A_156 = arith.mulf %select_n3A_139, %mul3A_155 : vector<16x128xf32>
      %add3A_157 = arith.addf %add3A_154, %mul3A_156 : vector<16x128xf32>
      %add3A_158 = arith.addf %add3A_157, %select_n3A_149 : vector<16x128xf32>
      %mul3A_159 = arith.mulf %exp3A, %add3A_158 : vector<16x128xf32>
      %mul3A_160 = vector.broadcast %get3A_13 : f32 to vector<16x128xf32>
      %mul3A_161 = arith.mulf %mul3A_94, %mul3A_160 : vector<16x128xf32>
      %mul3A_162 = vector.broadcast %get3A_16 : f32 to vector<16x128xf32>
      %mul3A_163 = arith.mulf %mul3A_95, %mul3A_162 : vector<16x128xf32>
      %add3A_164 = arith.addf %mul3A_161, %mul3A_163 : vector<16x128xf32>
      %mul3A_165 = vector.broadcast %get3A_19 : f32 to vector<16x128xf32>
      %mul3A_166 = arith.mulf %mul3A_96, %mul3A_165 : vector<16x128xf32>
      %add3A_167 = arith.addf %add3A_164, %mul3A_166 : vector<16x128xf32>
      %mul3A_168 = arith.mulf %exp3A_109, %add3A_167 : vector<16x128xf32>
      %slice3A_169 = vector.extract_strided_slice %mul3A_159 {offsets = [0, 127], sizes = [16, 1], strides = [1, 1]} : vector<16x128xf32> to vector<16x1xf32>
      %slice3A_170 = vector.extract_strided_slice %mul3A_159 {offsets = [0, 0], sizes = [16, 127], strides = [1, 1]} : vector<16x128xf32> to vector<16x127xf32>
      %concatenate3A_171 = tpu.concatenate %slice3A_169, %slice3A_170 in 1 : vector<16x1xf32>, vector<16x127xf32> -> vector<16x128xf32>
      %lt3A_172 = arith.constant 1 : i32
      %lt3A_173 = vector.broadcast %lt3A_172 : i32 to vector<16x128xi32>
      %lt3A_174 = arith.cmpi slt, %iota3A, %lt3A_173 : vector<16x128xi32>
      %jit3A_175 = arith.constant 0.000000e+00 : f32
      %broadcast_in_dim3A_176 = vector.broadcast %jit3A_175 : f32 to vector<16x128xf32>
      %select_n3A_177 = arith.select %lt3A_174, %broadcast_in_dim3A_176, %concatenate3A_171 : vector<16x128xi1>, vector<16x128xf32>
      %mul3A_178 = vector.broadcast %get3A_22 : f32 to vector<16x128xf32>
      %mul3A_179 = arith.mulf %select_n3A_177, %mul3A_178 : vector<16x128xf32>
      %slice3A_180 = vector.extract_strided_slice %mul3A_168 {offsets = [0, 127], sizes = [16, 1], strides = [1, 1]} : vector<16x128xf32> to vector<16x1xf32>
      %slice3A_181 = vector.extract_strided_slice %mul3A_168 {offsets = [0, 0], sizes = [16, 127], strides = [1, 1]} : vector<16x128xf32> to vector<16x127xf32>
      %concatenate3A_182 = tpu.concatenate %slice3A_180, %slice3A_181 in 1 : vector<16x1xf32>, vector<16x127xf32> -> vector<16x128xf32>
      %lt3A_183 = arith.constant 1 : i32
      %lt3A_184 = vector.broadcast %lt3A_183 : i32 to vector<16x128xi32>
      %lt3A_185 = arith.cmpi slt, %iota3A, %lt3A_184 : vector<16x128xi32>
      %jit3A_186 = arith.constant 0.000000e+00 : f32
      %broadcast_in_dim3A_187 = vector.broadcast %jit3A_186 : f32 to vector<16x128xf32>
      %select_n3A_188 = arith.select %lt3A_185, %broadcast_in_dim3A_187, %concatenate3A_182 : vector<16x128xi1>, vector<16x128xf32>
      %mul3A_189 = vector.broadcast %get3A_25 : f32 to vector<16x128xf32>
      %mul3A_190 = arith.mulf %select_n3A_188, %mul3A_189 : vector<16x128xf32>
      %add3A_191 = arith.addf %mul3A_179, %mul3A_190 : vector<16x128xf32>
      %mul3A_192 = arith.mulf %exp3A_116, %add3A_191 : vector<16x128xf32>
      %mul3A_193 = vector.broadcast %get3A_28 : f32 to vector<16x128xf32>
      %mul3A_194 = arith.mulf %exp3A_116, %mul3A_193 : vector<16x128xf32>
      %slice3A_195 = vector.extract_strided_slice %mul3A_192 {offsets = [0, 127], sizes = [16, 1], strides = [1, 1]} : vector<16x128xf32> to vector<16x1xf32>
      %slice3A_196 = vector.extract_strided_slice %mul3A_192 {offsets = [0, 0], sizes = [16, 127], strides = [1, 1]} : vector<16x128xf32> to vector<16x127xf32>
      %concatenate3A_197 = tpu.concatenate %slice3A_195, %slice3A_196 in 1 : vector<16x1xf32>, vector<16x127xf32> -> vector<16x128xf32>
      %lt3A_198 = arith.constant 1 : i32
      %lt3A_199 = vector.broadcast %lt3A_198 : i32 to vector<16x128xi32>
      %lt3A_200 = arith.cmpi slt, %iota3A, %lt3A_199 : vector<16x128xi32>
      %jit3A_201 = arith.constant 0.000000e+00 : f32
      %broadcast_in_dim3A_202 = vector.broadcast %jit3A_201 : f32 to vector<16x128xf32>
      %select_n3A_203 = arith.select %lt3A_200, %broadcast_in_dim3A_202, %concatenate3A_197 : vector<16x128xi1>, vector<16x128xf32>
      %mul3A_204 = arith.mulf %mul3A_194, %select_n3A_203 : vector<16x128xf32>
      %add3A_205 = arith.addf %mul3A_204, %mul3A_192 : vector<16x128xf32>
      %slice3A_206 = vector.extract_strided_slice %mul3A_194 {offsets = [0, 127], sizes = [16, 1], strides = [1, 1]} : vector<16x128xf32> to vector<16x1xf32>
      %slice3A_207 = vector.extract_strided_slice %mul3A_194 {offsets = [0, 0], sizes = [16, 127], strides = [1, 1]} : vector<16x128xf32> to vector<16x127xf32>
      %concatenate3A_208 = tpu.concatenate %slice3A_206, %slice3A_207 in 1 : vector<16x1xf32>, vector<16x127xf32> -> vector<16x128xf32>
      %lt3A_209 = arith.constant 1 : i32
      %lt3A_210 = vector.broadcast %lt3A_209 : i32 to vector<16x128xi32>
      %lt3A_211 = arith.cmpi slt, %iota3A, %lt3A_210 : vector<16x128xi32>
      %jit3A_212 = arith.constant 1.000000e+00 : f32
      %broadcast_in_dim3A_213 = vector.broadcast %jit3A_212 : f32 to vector<16x128xf32>
      %select_n3A_214 = arith.select %lt3A_211, %broadcast_in_dim3A_213, %concatenate3A_208 : vector<16x128xi1>, vector<16x128xf32>
      %mul3A_215 = arith.mulf %mul3A_194, %select_n3A_214 : vector<16x128xf32>
      %slice3A_216 = vector.extract_strided_slice %add3A_205 {offsets = [0, 126], sizes = [16, 2], strides = [1, 1]} : vector<16x128xf32> to vector<16x2xf32>
      %slice3A_217 = vector.extract_strided_slice %add3A_205 {offsets = [0, 0], sizes = [16, 126], strides = [1, 1]} : vector<16x128xf32> to vector<16x126xf32>
      %concatenate3A_218 = tpu.concatenate %slice3A_216, %slice3A_217 in 1 : vector<16x2xf32>, vector<16x126xf32> -> vector<16x128xf32>
      %lt3A_219 = arith.constant 2 : i32
      %lt3A_220 = vector.broadcast %lt3A_219 : i32 to vector<16x128xi32>
      %lt3A_221 = arith.cmpi slt, %iota3A, %lt3A_220 : vector<16x128xi32>
      %jit3A_222 = arith.constant 0.000000e+00 : f32
      %broadcast_in_dim3A_223 = vector.broadcast %jit3A_222 : f32 to vector<16x128xf32>
      %select_n3A_224 = arith.select %lt3A_221, %broadcast_in_dim3A_223, %concatenate3A_218 : vector<16x128xi1>, vector<16x128xf32>
      %mul3A_225 = arith.mulf %mul3A_215, %select_n3A_224 : vector<16x128xf32>
      %add3A_226 = arith.addf %mul3A_225, %add3A_205 : vector<16x128xf32>
      %slice3A_227 = vector.extract_strided_slice %mul3A_215 {offsets = [0, 126], sizes = [16, 2], strides = [1, 1]} : vector<16x128xf32> to vector<16x2xf32>
      %slice3A_228 = vector.extract_strided_slice %mul3A_215 {offsets = [0, 0], sizes = [16, 126], strides = [1, 1]} : vector<16x128xf32> to vector<16x126xf32>
      %concatenate3A_229 = tpu.concatenate %slice3A_227, %slice3A_228 in 1 : vector<16x2xf32>, vector<16x126xf32> -> vector<16x128xf32>
      %lt3A_230 = arith.constant 2 : i32
      %lt3A_231 = vector.broadcast %lt3A_230 : i32 to vector<16x128xi32>
      %lt3A_232 = arith.cmpi slt, %iota3A, %lt3A_231 : vector<16x128xi32>
      %jit3A_233 = arith.constant 1.000000e+00 : f32
      %broadcast_in_dim3A_234 = vector.broadcast %jit3A_233 : f32 to vector<16x128xf32>
      %select_n3A_235 = arith.select %lt3A_232, %broadcast_in_dim3A_234, %concatenate3A_229 : vector<16x128xi1>, vector<16x128xf32>
      %mul3A_236 = arith.mulf %mul3A_215, %select_n3A_235 : vector<16x128xf32>
      %slice3A_237 = vector.extract_strided_slice %add3A_226 {offsets = [0, 124], sizes = [16, 4], strides = [1, 1]} : vector<16x128xf32> to vector<16x4xf32>
      %slice3A_238 = vector.extract_strided_slice %add3A_226 {offsets = [0, 0], sizes = [16, 124], strides = [1, 1]} : vector<16x128xf32> to vector<16x124xf32>
      %concatenate3A_239 = tpu.concatenate %slice3A_237, %slice3A_238 in 1 : vector<16x4xf32>, vector<16x124xf32> -> vector<16x128xf32>
      %lt3A_240 = arith.constant 4 : i32
      %lt3A_241 = vector.broadcast %lt3A_240 : i32 to vector<16x128xi32>
      %lt3A_242 = arith.cmpi slt, %iota3A, %lt3A_241 : vector<16x128xi32>
      %jit3A_243 = arith.constant 0.000000e+00 : f32
      %broadcast_in_dim3A_244 = vector.broadcast %jit3A_243 : f32 to vector<16x128xf32>
      %select_n3A_245 = arith.select %lt3A_242, %broadcast_in_dim3A_244, %concatenate3A_239 : vector<16x128xi1>, vector<16x128xf32>
      %mul3A_246 = arith.mulf %mul3A_236, %select_n3A_245 : vector<16x128xf32>
      %add3A_247 = arith.addf %mul3A_246, %add3A_226 : vector<16x128xf32>
      %slice3A_248 = vector.extract_strided_slice %mul3A_236 {offsets = [0, 124], sizes = [16, 4], strides = [1, 1]} : vector<16x128xf32> to vector<16x4xf32>
      %slice3A_249 = vector.extract_strided_slice %mul3A_236 {offsets = [0, 0], sizes = [16, 124], strides = [1, 1]} : vector<16x128xf32> to vector<16x124xf32>
      %concatenate3A_250 = tpu.concatenate %slice3A_248, %slice3A_249 in 1 : vector<16x4xf32>, vector<16x124xf32> -> vector<16x128xf32>
      %lt3A_251 = arith.constant 4 : i32
      %lt3A_252 = vector.broadcast %lt3A_251 : i32 to vector<16x128xi32>
      %lt3A_253 = arith.cmpi slt, %iota3A, %lt3A_252 : vector<16x128xi32>
      %jit3A_254 = arith.constant 1.000000e+00 : f32
      %broadcast_in_dim3A_255 = vector.broadcast %jit3A_254 : f32 to vector<16x128xf32>
      %select_n3A_256 = arith.select %lt3A_253, %broadcast_in_dim3A_255, %concatenate3A_250 : vector<16x128xi1>, vector<16x128xf32>
      %mul3A_257 = arith.mulf %mul3A_236, %select_n3A_256 : vector<16x128xf32>
      %slice3A_258 = vector.extract_strided_slice %add3A_247 {offsets = [0, 120], sizes = [16, 8], strides = [1, 1]} : vector<16x128xf32> to vector<16x8xf32>
      %slice3A_259 = vector.extract_strided_slice %add3A_247 {offsets = [0, 0], sizes = [16, 120], strides = [1, 1]} : vector<16x128xf32> to vector<16x120xf32>
      %concatenate3A_260 = tpu.concatenate %slice3A_258, %slice3A_259 in 1 : vector<16x8xf32>, vector<16x120xf32> -> vector<16x128xf32>
      %lt3A_261 = arith.constant 8 : i32
      %lt3A_262 = vector.broadcast %lt3A_261 : i32 to vector<16x128xi32>
      %lt3A_263 = arith.cmpi slt, %iota3A, %lt3A_262 : vector<16x128xi32>
      %jit3A_264 = arith.constant 0.000000e+00 : f32
      %broadcast_in_dim3A_265 = vector.broadcast %jit3A_264 : f32 to vector<16x128xf32>
      %select_n3A_266 = arith.select %lt3A_263, %broadcast_in_dim3A_265, %concatenate3A_260 : vector<16x128xi1>, vector<16x128xf32>
      %mul3A_267 = arith.mulf %mul3A_257, %select_n3A_266 : vector<16x128xf32>
      %add3A_268 = arith.addf %mul3A_267, %add3A_247 : vector<16x128xf32>
      %slice3A_269 = vector.extract_strided_slice %mul3A_257 {offsets = [0, 120], sizes = [16, 8], strides = [1, 1]} : vector<16x128xf32> to vector<16x8xf32>
      %slice3A_270 = vector.extract_strided_slice %mul3A_257 {offsets = [0, 0], sizes = [16, 120], strides = [1, 1]} : vector<16x128xf32> to vector<16x120xf32>
      %concatenate3A_271 = tpu.concatenate %slice3A_269, %slice3A_270 in 1 : vector<16x8xf32>, vector<16x120xf32> -> vector<16x128xf32>
      %lt3A_272 = arith.constant 8 : i32
      %lt3A_273 = vector.broadcast %lt3A_272 : i32 to vector<16x128xi32>
      %lt3A_274 = arith.cmpi slt, %iota3A, %lt3A_273 : vector<16x128xi32>
      %jit3A_275 = arith.constant 1.000000e+00 : f32
      %broadcast_in_dim3A_276 = vector.broadcast %jit3A_275 : f32 to vector<16x128xf32>
      %select_n3A_277 = arith.select %lt3A_274, %broadcast_in_dim3A_276, %concatenate3A_271 : vector<16x128xi1>, vector<16x128xf32>
      %mul3A_278 = arith.mulf %mul3A_257, %select_n3A_277 : vector<16x128xf32>
      %slice3A_279 = vector.extract_strided_slice %add3A_268 {offsets = [0, 112], sizes = [16, 16], strides = [1, 1]} : vector<16x128xf32> to vector<16x16xf32>
      %slice3A_280 = vector.extract_strided_slice %add3A_268 {offsets = [0, 0], sizes = [16, 112], strides = [1, 1]} : vector<16x128xf32> to vector<16x112xf32>
      %concatenate3A_281 = tpu.concatenate %slice3A_279, %slice3A_280 in 1 : vector<16x16xf32>, vector<16x112xf32> -> vector<16x128xf32>
      %lt3A_282 = arith.constant 16 : i32
      %lt3A_283 = vector.broadcast %lt3A_282 : i32 to vector<16x128xi32>
      %lt3A_284 = arith.cmpi slt, %iota3A, %lt3A_283 : vector<16x128xi32>
      %jit3A_285 = arith.constant 0.000000e+00 : f32
      %broadcast_in_dim3A_286 = vector.broadcast %jit3A_285 : f32 to vector<16x128xf32>
      %select_n3A_287 = arith.select %lt3A_284, %broadcast_in_dim3A_286, %concatenate3A_281 : vector<16x128xi1>, vector<16x128xf32>
      %mul3A_288 = arith.mulf %mul3A_278, %select_n3A_287 : vector<16x128xf32>
      %add3A_289 = arith.addf %mul3A_288, %add3A_268 : vector<16x128xf32>
      %slice3A_290 = vector.extract_strided_slice %mul3A_278 {offsets = [0, 112], sizes = [16, 16], strides = [1, 1]} : vector<16x128xf32> to vector<16x16xf32>
      %slice3A_291 = vector.extract_strided_slice %mul3A_278 {offsets = [0, 0], sizes = [16, 112], strides = [1, 1]} : vector<16x128xf32> to vector<16x112xf32>
      %concatenate3A_292 = tpu.concatenate %slice3A_290, %slice3A_291 in 1 : vector<16x16xf32>, vector<16x112xf32> -> vector<16x128xf32>
      %lt3A_293 = arith.constant 16 : i32
      %lt3A_294 = vector.broadcast %lt3A_293 : i32 to vector<16x128xi32>
      %lt3A_295 = arith.cmpi slt, %iota3A, %lt3A_294 : vector<16x128xi32>
      %jit3A_296 = arith.constant 1.000000e+00 : f32
      %broadcast_in_dim3A_297 = vector.broadcast %jit3A_296 : f32 to vector<16x128xf32>
      %select_n3A_298 = arith.select %lt3A_295, %broadcast_in_dim3A_297, %concatenate3A_292 : vector<16x128xi1>, vector<16x128xf32>
      %mul3A_299 = arith.mulf %mul3A_278, %select_n3A_298 : vector<16x128xf32>
      %slice3A_300 = vector.extract_strided_slice %add3A_289 {offsets = [0, 96], sizes = [16, 32], strides = [1, 1]} : vector<16x128xf32> to vector<16x32xf32>
      %slice3A_301 = vector.extract_strided_slice %add3A_289 {offsets = [0, 0], sizes = [16, 96], strides = [1, 1]} : vector<16x128xf32> to vector<16x96xf32>
      %concatenate3A_302 = tpu.concatenate %slice3A_300, %slice3A_301 in 1 : vector<16x32xf32>, vector<16x96xf32> -> vector<16x128xf32>
      %lt3A_303 = arith.constant 32 : i32
      %lt3A_304 = vector.broadcast %lt3A_303 : i32 to vector<16x128xi32>
      %lt3A_305 = arith.cmpi slt, %iota3A, %lt3A_304 : vector<16x128xi32>
      %jit3A_306 = arith.constant 0.000000e+00 : f32
      %broadcast_in_dim3A_307 = vector.broadcast %jit3A_306 : f32 to vector<16x128xf32>
      %select_n3A_308 = arith.select %lt3A_305, %broadcast_in_dim3A_307, %concatenate3A_302 : vector<16x128xi1>, vector<16x128xf32>
      %mul3A_309 = arith.mulf %mul3A_299, %select_n3A_308 : vector<16x128xf32>
      %add3A_310 = arith.addf %mul3A_309, %add3A_289 : vector<16x128xf32>
      %slice3A_311 = vector.extract_strided_slice %mul3A_299 {offsets = [0, 96], sizes = [16, 32], strides = [1, 1]} : vector<16x128xf32> to vector<16x32xf32>
      %slice3A_312 = vector.extract_strided_slice %mul3A_299 {offsets = [0, 0], sizes = [16, 96], strides = [1, 1]} : vector<16x128xf32> to vector<16x96xf32>
      %concatenate3A_313 = tpu.concatenate %slice3A_311, %slice3A_312 in 1 : vector<16x32xf32>, vector<16x96xf32> -> vector<16x128xf32>
      %lt3A_314 = arith.constant 32 : i32
      %lt3A_315 = vector.broadcast %lt3A_314 : i32 to vector<16x128xi32>
      %lt3A_316 = arith.cmpi slt, %iota3A, %lt3A_315 : vector<16x128xi32>
      %jit3A_317 = arith.constant 1.000000e+00 : f32
      %broadcast_in_dim3A_318 = vector.broadcast %jit3A_317 : f32 to vector<16x128xf32>
      %select_n3A_319 = arith.select %lt3A_316, %broadcast_in_dim3A_318, %concatenate3A_313 : vector<16x128xi1>, vector<16x128xf32>
      %mul3A_320 = arith.mulf %mul3A_299, %select_n3A_319 : vector<16x128xf32>
      %slice3A_321 = vector.extract_strided_slice %add3A_310 {offsets = [0, 64], sizes = [16, 64], strides = [1, 1]} : vector<16x128xf32> to vector<16x64xf32>
      %slice3A_322 = vector.extract_strided_slice %add3A_310 {offsets = [0, 0], sizes = [16, 64], strides = [1, 1]} : vector<16x128xf32> to vector<16x64xf32>
      %concatenate3A_323 = tpu.concatenate %slice3A_321, %slice3A_322 in 1 : vector<16x64xf32>, vector<16x64xf32> -> vector<16x128xf32>
      %lt3A_324 = arith.constant 64 : i32
      %lt3A_325 = vector.broadcast %lt3A_324 : i32 to vector<16x128xi32>
      %lt3A_326 = arith.cmpi slt, %iota3A, %lt3A_325 : vector<16x128xi32>
      %jit3A_327 = arith.constant 0.000000e+00 : f32
      %broadcast_in_dim3A_328 = vector.broadcast %jit3A_327 : f32 to vector<16x128xf32>
      %select_n3A_329 = arith.select %lt3A_326, %broadcast_in_dim3A_328, %concatenate3A_323 : vector<16x128xi1>, vector<16x128xf32>
      %mul3A_330 = arith.mulf %mul3A_320, %select_n3A_329 : vector<16x128xf32>
      %add3A_331 = arith.addf %mul3A_330, %add3A_310 : vector<16x128xf32>
      %sub3A_332 = arith.constant 1 : i32
      %sub3A_333 = vector.broadcast %sub3A_332 : i32 to vector<16x1xi32>
      %sub3A_334 = arith.subi %get3A_40, %sub3A_333 : vector<16x1xi32>
      %eq3A_335 = vector.broadcast %scan3A_80 : i32 to vector<16x1xi32>
      %eq3A_336 = arith.cmpi eq, %eq3A_335, %sub3A_334 : vector<16x1xi32>
      %broadcast_in_dim3A_337 = vector.shape_cast %eq3A_336 : vector<16x1xi1> to vector<16x1xi1>
      %broadcast_in_dim3A_338 = vector.broadcast %broadcast_in_dim3A_337 : vector<16x1xi1> to vector<16x128xi1>
      %and3A_339 = arith.andi %eq3A_46, %broadcast_in_dim3A_338 : vector<16x128xi1>
      %jit3A_340 = arith.constant 0.000000e+00 : f32
      %broadcast_in_dim3A_341 = vector.broadcast %jit3A_340 : f32 to vector<16x128xf32>
      %select_n3A_342 = arith.select %and3A_339, %mul3A_159, %broadcast_in_dim3A_341 : vector<16x128xi1>, vector<16x128xf32>
      %add3A_343 = arith.addf %scan3A_86, %select_n3A_342 : vector<16x128xf32>
      %jit3A_344 = arith.constant 0.000000e+00 : f32
      %broadcast_in_dim3A_345 = vector.broadcast %jit3A_344 : f32 to vector<16x128xf32>
      %select_n3A_346 = arith.select %and3A_339, %mul3A_168, %broadcast_in_dim3A_345 : vector<16x128xi1>, vector<16x128xf32>
      %add3A_347 = arith.addf %scan3A_87, %select_n3A_346 : vector<16x128xf32>
      %jit3A_348 = arith.constant 0.000000e+00 : f32
      %broadcast_in_dim3A_349 = vector.broadcast %jit3A_348 : f32 to vector<16x128xf32>
      %select_n3A_350 = arith.select %and3A_339, %add3A_331, %broadcast_in_dim3A_349 : vector<16x128xi1>, vector<16x128xf32>
      %add3A_351 = arith.addf %scan3A_88, %select_n3A_350 : vector<16x128xf32>
      %jit3A_352 = arith.constant 0.000000e+00 : f32
      %broadcast_in_dim3A_353 = vector.broadcast %jit3A_352 : f32 to vector<16x128xf32>
      %select_n3A_354 = arith.select %broadcast_in_dim3A_338, %sub3A_93, %broadcast_in_dim3A_353 : vector<16x128xi1>, vector<16x128xf32>
      %add3A_355 = arith.addf %scan3A_89, %select_n3A_354 : vector<16x128xf32>
      %max3A = arith.maximumf %mul3A_159, %mul3A_168 : vector<16x128xf32>
      %max3A_356 = arith.maximumf %max3A, %add3A_331 : vector<16x128xf32>
      %reduce_max3A = arith.constant dense<0xFF800000> : vector<16xf32>
      %reduce_max3A_357 = vector.multi_reduction <maximumf>, %max3A_356, %reduce_max3A [1] : vector<16x128xf32> to vector<16xf32>
      %broadcast_in_dim3A_358 = vector.shape_cast %reduce_max3A_357 : vector<16xf32> to vector<16x1xf32>
      %broadcast_in_dim3A_359 = vector.shape_cast %broadcast_in_dim3A_358 : vector<16x1xf32> to vector<16x1xf32>
      %broadcast_in_dim3A_360 = vector.broadcast %broadcast_in_dim3A_359 : vector<16x1xf32> to vector<16x128xf32>
      scf.yield %mul3A_159, %mul3A_168, %add3A_331, %broadcast_in_dim3A_360, %sub3A_93, %add3A_343, %add3A_347, %add3A_351, %add3A_355 : vector<16x128xf32>, vector<16x128xf32>, vector<16x128xf32>, vector<16x128xf32>, vector<16x128xf32>, vector<16x128xf32>, vector<16x128xf32>, vector<16x128xf32>, vector<16x128xf32>
    }
    %scan3A_61 = arith.constant 128 : i32
    %reduce_sum3A = arith.constant dense<0.000000e+00> : vector<16xf32>
    %reduce_sum3A_62 = vector.multi_reduction <add>, %scan3A_60#5, %reduce_sum3A [1] : vector<16x128xf32> to vector<16xf32>
    %broadcast_in_dim3A = vector.shape_cast %reduce_sum3A_62 : vector<16xf32> to vector<16x1xf32>
    %mul3A_63 = vector.broadcast %get3A_31 : f32 to vector<16x1xf32>
    %mul3A_64 = arith.mulf %broadcast_in_dim3A, %mul3A_63 : vector<16x1xf32>
    %reduce_sum3A_65 = arith.constant dense<0.000000e+00> : vector<16xf32>
    %reduce_sum3A_66 = vector.multi_reduction <add>, %scan3A_60#6, %reduce_sum3A_65 [1] : vector<16x128xf32> to vector<16xf32>
    %broadcast_in_dim3A_67 = vector.shape_cast %reduce_sum3A_66 : vector<16xf32> to vector<16x1xf32>
    %mul3A_68 = vector.broadcast %get3A_34 : f32 to vector<16x1xf32>
    %mul3A_69 = arith.mulf %broadcast_in_dim3A_67, %mul3A_68 : vector<16x1xf32>
    %add3A_70 = arith.addf %mul3A_64, %mul3A_69 : vector<16x1xf32>
    %reduce_sum3A_71 = arith.constant dense<0.000000e+00> : vector<16xf32>
    %reduce_sum3A_72 = vector.multi_reduction <add>, %scan3A_60#7, %reduce_sum3A_71 [1] : vector<16x128xf32> to vector<16xf32>
    %broadcast_in_dim3A_73 = vector.shape_cast %reduce_sum3A_72 : vector<16xf32> to vector<16x1xf32>
    %mul3A_74 = vector.broadcast %get3A_37 : f32 to vector<16x1xf32>
    %mul3A_75 = arith.mulf %broadcast_in_dim3A_73, %mul3A_74 : vector<16x1xf32>
    %add3A_76 = arith.addf %add3A_70, %mul3A_75 : vector<16x1xf32>
    %log3A = math.log %add3A_76 : vector<16x1xf32>
    %slice3A = vector.extract_strided_slice %scan3A_60#8 {offsets = [0, 0], sizes = [16, 1], strides = [1, 1]} : vector<16x128xf32> to vector<16x1xf32>
    %sub3A_77 = arith.subf %log3A, %slice3A : vector<16x1xf32>
    %swap3A = arith.constant 0 : index
    %swap3A_78 = arith.constant 0 : index
    %swap3A_79 = vector.load %arg4[%swap3A, %swap3A_78] : memref<16x1xf32, #tpu.memory_space<vmem>>, vector<16x1xf32>
    tpu.vector_store %arg4[%swap3A, %swap3A_78], %sub3A_77 {strides = array<i32>} : memref<16x1xf32, #tpu.memory_space<vmem>>, vector<16x1xf32>,
    return
  }
}

</mosaic_0001>

<sc_bundles>
// kernel: kernel.4.cloned.1.call-start
scs
__scs_entry_jumppad:
0x0: {  	(pc) =	sbr.rel $0x88, $3  }
0x1: {  	(tag) =	ssettag $0x0;
	lr =	simm.s32 $0x1  }
0x2: {  	[smem:$0x3F9C] =	sst lr;
	_ =	strace $0xD0000000  }
0x3: {  	_ = 	snop  }
0x4: {  	_ = 	snop  }
0x5: {  	_ = 	snop  }
0x6: {  	_ = 	snop  }
0x7: {  	_ = 	snop  }
__scs_overlays_trampoline_lowered:
0x8: {  	[smem:$0x3FAB] =	sst s0  }
0x9: {  	[smem:$0x3FAC] =	sst s1  }
0xa: {  	[smem:$0x3FAD] =	sst s2  }
0xb: {  	[smem:$0x3FAE] =	sst s3  }
0xc: {  	[smem:$0x3FAF] =	sst s4  }
0xd: {  	[smem:$0x3FB0] =	sst s5  }
0xe: {  	[smem:$0x3FB1] =	sst s6  }
0xf: {  	[smem:$0x3FB2] =	sst s7  }
0x10: {  	[smem:$0x3FB3] =	sst s8  }
0x11: {  	[smem:$0x3FB4] =	sst s9;
	s0 =	simm.s32 @!p0 $0x0  }
0x12: {  	s1 =	sld [smem:$0x3F9A];
	s0 =	simm.s32 @p0 $0x1  }
0x13: {  	[smem:$0x3FB5] =	sst s0;
	s0 =	simm.s32 @!p1 $0x0  }
0x14: {  	s2 =	sld [smem:$0x3F99];
	s0 =	simm.s32 @p1 $0x1  }
0x15: {  	[smem:$0x3FB6] =	sst s0;
	s0 =	simm.s32 @!p2 $0x0  }
0x16: {  	s3 =	sld [smem:$0x3FDB];
	s0 =	simm.s32 @p2 $0x1  }
0x17: {  	s4 =	simm.s32 $0x1BF5;
	[smem:$0x3FB8] =	sst s0  }
0x18: {  	s0 =	sld [smem:$0x3F9B];
	_ =	swait.ge [sflag:s4], $0x0  }
0x19: {  	s7 =	sld [smem:$0x3F9C]  }
0x1a: {  	s8 =	sadd.s32 $0xFFFFE003, lr  }
0x1b: {  	s9 =	sadd.s32 $0xFFFFFEF7, lr;
	s5 =	simm.s32 $0xFFFFFFFF;
	p2 =	slt.u32 s8, $0xFFFFF086  }
0x1c: {  	p1 =	slt.u32 s9, $0xF7A;
	s5 =	simm.s32 @!p2 $0x0  }
0x1d: {  	s5 =	simm.s32 @p1 $0x1;
	p0 =	seq.s32 s7, s2  }
0x1e: {  	s7 =	smul.u32 @!p0 $0xF7A, s2;
	p2 =	seq.s32 @!p0 s5, $0x0  }
0x1f: {  	s9 =	smul.u32 $0xF7A, s1;
	s8 =	simm.s32 @!p0 $0x1BF5;
	p2 =	por !p2, p0  }
0x20: {  	[sflag:s8] =	ssyncset.s32 @!p0 $0xFFFFF086;
	s6 =	sadd.s32 @!p0 s3, s7;
	s7 =	simm.s32 @!p0 $0x108  }
0x21: {  	s3 =	sadd.s32 s3, s9;
	s6 =	sadd.s32 @!p0 $0x88, s6;
	s7 =	simm.s32 @p2 $0x1082  }
0x22: {  	[simem:s7], [sflag:s8] =	dma.local @!p0 [hbm:s6], $0xF7A  }
0x23: {  	s9 =	sor.u32 $0xD0000000, s2;
	s6 =	simm.s32 $0x108;
	_ =	swait.ge @!p0 [sflag:s8], $0x0  }
0x24: {  	s3 =	sadd.s32 $0x88, s3;
	s6 =	simm.s32 @!p1 $0x1082;
	[sflag:s4] =	ssyncset.s32 $0xFFFFF086  }
0x25: {  	[simem:s6], [sflag:s4] =	dma.local [hbm:s3], $0xF7A  }
0x26: {  	[smem:$0x3F9C] =	sst s1;
	(tag) =	ssettag s2;
	_ =	strace s9  }
0x27: {  	s1 =	sld [smem:$0x3FAC]  }
0x28: {  	s2 =	sld [smem:$0x3FAD]  }
0x29: {  	s4 =	sld [smem:$0x3FAF]  }
0x2a: {  	p0 =	seq.s32 s5, $0x0;
	s5 =	sld [smem:$0x3FB0]  }
0x2b: {  	s6 =	sld [smem:$0x3FB1]  }
0x2c: {  	s7 =	sld [smem:$0x3FB2]  }
0x2d: {  	s3 =	simm.s32 $0x108;
	s8 =	sld [smem:$0x3FB3]  }
0x2e: {  	s3 =	simm.s32 @!p0 $0x1082;
	s9 =	sld [smem:$0x3FB4]  }
0x2f: {  	lr =	sadd.s32 s0, s3;
	s0 =	sld [smem:$0x3FAB]  }
0x30: {  	s3 =	sld [smem:$0x3FAE]  }
0x31: {  	[smem:$0x3FB7] =	sst s10  }
0x32: {  	s10 =	sld [smem:$0x3FB5];
	_ =	sdelay $0x3  }
0x33: {  	p0 =	seq.s32 s10, $0x1;
	s10 =	sld [smem:$0x3FB7];
	_ =	sdelay $0x3  }
0x34: {  	[smem:$0x3FB7] =	sst s10  }
0x35: {  	s10 =	sld [smem:$0x3FB6];
	_ =	sdelay $0x3  }
0x36: {  	p1 =	seq.s32 s10, $0x1;
	s10 =	sld [smem:$0x3FB7];
	_ =	sdelay $0x3  }
0x37: {  	[smem:$0x3FB7] =	sst s10  }
0x38: {  	s10 =	sld [smem:$0x3FB8]  }
0x39: {  	_ = 	snop;
	(pc) =	sbr.ind lr, $3  }
0x3a: {  	_ = 	snop  }
0x3b: {  	_ = 	snop  }
0x3c: {  	p2 =	seq.s32 s10, $0x1;
	s10 =	sld [smem:$0x3FB7]  }
0x3d: {  	_ =	shalt  }
0x3e: {  	_ =	shalt  }
0x3f: {  	_ =	shalt  }
0x40: {  	_ =	shalt  }
0x41: {  	_ =	shalt  }
0x42: {  	_ =	shalt  }
0x43: {  	_ =	shalt  }
0x44: {  	_ =	shalt  }
0x45: {  	_ =	shalt  }
0x46: {  	_ =	shalt  }
0x47: {  	_ =	shalt  }
0x48: {  	_ =	shalt  }
0x49: {  	_ =	shalt  }
0x4a: {  	_ =	shalt  }
0x4b: {  	_ =	shalt  }
0x4c: {  	_ =	shalt  }
0x4d: {  	_ =	shalt  }
0x4e: {  	_ =	shalt  }
0x4f: {  	_ =	shalt  }
0x50: {  	_ =	shalt  }
0x51: {  	_ =	shalt  }
0x52: {  	_ =	shalt  }
0x53: {  	_ =	shalt  }
0x54: {  	_ =	shalt  }
0x55: {  	_ =	shalt  }
0x56: {  	_ =	shalt  }
0x57: {  	_ =	shalt  }
0x58: {  	_ =	shalt  }
0x59: {  	_ =	shalt  }
0x5a: {  	_ =	shalt  }
0x5b: {  	_ =	shalt  }
0x5c: {  	_ =	shalt  }
0x5d: {  	_ =	shalt  }
0x5e: {  	_ =	shalt  }
0x5f: {  	_ =	shalt  }
0x60: {  	_ =	shalt  }
0x61: {  	_ =	shalt  }
0x62: {  	_ =	shalt  }
0x63: {  	_ =	shalt  }
0x64: {  	_ =	shalt  }
0x65: {  	_ =	shalt  }
0x66: {  	_ =	shalt  }
0x67: {  	_ =	shalt  }
0x68: {  	_ =	shalt  }
0x69: {  	_ =	shalt  }
0x6a: {  	_ =	shalt  }
0x6b: {  	_ =	shalt  }
0x6c: {  	_ =	shalt  }
0x6d: {  	_ =	shalt  }
0x6e: {  	_ =	shalt  }
0x6f: {  	_ =	shalt  }
0x70: {  	_ =	shalt  }
0x71: {  	_ =	shalt  }
0x72: {  	_ =	shalt  }
0x73: {  	_ =	shalt  }
0x74: {  	_ =	shalt  }
0x75: {  	_ =	shalt  }
0x76: {  	_ =	shalt  }
0x77: {  	_ =	shalt  }
0x78: {  	_ =	shalt  }
0x79: {  	_ =	shalt  }
0x7a: {  	_ =	shalt  }
0x7b: {  	_ =	shalt  }
0x7c: {  	_ =	shalt  }
0x7d: {  	_ =	shalt  }
0x7e: {  	_ =	shalt  }
0x7f: {  	_ =	shalt  }
0x80: {  	_ =	shalt  }
0x81: {  	_ =	shalt  }
0x82: {  	_ =	shalt  }
0x83: {  	_ =	shalt  }
0x84: {  	_ =	shalt  }
0x85: {  	_ =	shalt  }
0x86: {  	_ =	shalt  }
0x87: {  	_ =	shalt  }
.Lfunc_end0:
.L_simem_size_0:
called_computation_lowered:
.L_overlay_start_0:
0x88: {  	s0 =	sld [smem:$0x3FD9]  }
0x89: {  	s1 =	sld [smem:$0x3FFE];
	_ =	sdelay $0x3  }
0x8a: {  	s0 =	sadd.s32 s1, s0  }
0x8b: {  	[smem:$0x3FC3] =	sst s0  }
0x8c: {  	_ = 	snop  }
0x8d: {  	s0 =	sld [smem:$0x3FD0];
	(tm) =	ssettm $0x1  }
0x8e: {  	s16 =	sld [smem:$0x3FFB];
	_ =	sdelay $0x3  }
0x8f: {  	_ =	strace s16  }
0x90: {  	s1 =	sld [smem:$0x3FFC];
	_ =	sdelay $0x3  }
0x91: {  	_ =	strace s1  }
0x92: {  	s1 =	sld [smem:$0x3FFD];
	_ =	sdelay $0x3  }
0x93: {  	_ =	strace s1  }
0x94: {  	_ =	strace $0x8FFFFFFF  }
0x95: {  	s17 =	sld [smem:$0x3FDB];
	_ =	sdelay $0x1  }
0x96: {  	s2 =	simm.s32 $_scs_section_size  }
0x97: {  	s3 =	simm.s32 $_size__tile_overlayer_lowered;
	s4 =	simm.s32 $_tile_overlayer_lowered  }
0x98: {  	s20 =	simm.s32 $0x1BFF;
	s19 =	sshll.u32 s4, $0x1;
	s1 =	sadd.s32 s2, s17  }
0x99: {  	s5 =	simm.s32 $0x0;
	s18 =	sshll.u32 s3, $0x1;
	s3 =	sadd.s32 s19, s1  }
0x9a: {  	[timem:s5], [sflag:s20] =	dma.local [hbm:s3], s18  }
0x9b: {  	_ =	swait.ge [sflag:s20], s18  }
0x9c: {  	s2 =	ssub.s32 $0x0, s18;
	[sflag:s20] =	ssyncset.done $0x0  }
0x9d: {  	[sflag:s20] =	ssyncadd.s32 s2;
	_ =	sdelay $0x1  }
0x9e: {  	s21 =	simm.s32 $0x1B8B  }
0x9f: {  	_ =	swait.ge [sflag:s21], $0x1  }
0xa0: {  	[sflag:s21] =	ssyncset.done $0x0  }
0xa1: {  	s23 =	simm.s32 $0x1B8E;
	s22 =	sld [smem:$0x3FFE];
	[sflag:s21] =	ssyncadd.s32 $0xFFFFFFFF  }
0xa2: {  	s24 =	simm.s32 $execute0_lowered;
	[smem:$0x3FD2] =	sst s23  }
0xa3: {  	s3 =	sshll.u32 s24, $0x1;
	_ =	strace $0x80000046;
	[dreg:$0x1] =	wrdreg $0xFFFFFFFF  }
0xa4: {  	s25 =	simm.s32 $_size_execute0_lowered;
	s1 =	sadd.s32 s1, s3;
	[dreg:$0x0] =	wrdreg $0x0  }
0xa5: {  	s3 =	sshll.u32 s25, $0x1;
	[dreg:$0x2] =	wrdreg s1  }
0xa6: {  	[dreg:$0x3] =	wrdreg s3  }
0xa7: {  	[dreg:$0x4] =	wrdreg $0xC0  }
0xa8: {  	_ =	task [dreg:s5], $0x5FFFF  }
0xa9: {  	[dreg:$0x1] =	wrdreg $0xFFFFFFFF  }
0xaa: {  	[dreg:$0x0] =	wrdreg $0x60  }
0xab: {  	[dreg:$0x2] =	wrdreg s22  }
0xac: {  	[dreg:$0x3] =	wrdreg s0  }
0xad: {  	[dreg:$0x4] =	wrdreg $0x9  }
0xae: {  	_ =	task.clear_ibuf [dreg:s5], $0x5FFFF;
	_ =	strace $0x90000046  }
0xaf: {  	s26 =	simm.s32 $0x9;
	_ =	strace $0x80000048  }
0xb0: {  	_ =	swait.ge [sflag:s26], $0x1  }
0xb1: {  	[sflag:s26] =	ssyncadd.s32 $0xFFFFFFFF  }
0xb2: {  	_ =	strace $0x90000048  }
0xb3: {  	_ =	sfence  }
0xb4: {  	s28 =	sld [smem:$0x0];
	_ =	sdelay $0x1  }
0xb5: {  	s29 =	srdreg.scid  }
0xb6: {  	s30 =	sshll.u32 s29, $0xD;
	s31 =	sshrl.u32 s29, $0x2  }
0xb7: {  	s2 =	sand.u32 $0x4000, s30;
	s1 =	sand.u32 $0x1, s29;
	s0 =	sadd.s32 s31, s28  }
0xb8: {  	s1 =	sor.u32 s2, s1;
	s0 =	sshll.u32 s0, $0x11  }
0xb9: {  	s0 =	sor.u32 s0, s1  }
0xba: {  	s0 =	sadd.s32 $0x8F2B, s0  }
0xbb: {  	[sflag:s0] =	ssyncadd.remote.s32 $0x1  }
0xbc: {  	_ =	sfence.sel $0xFFFF  }
0xbd: {  	[dreg:$0x0] =	wrdreg $0xFFFFFFFF;
	(pc) =	sbr.abs _section_cstart, $3  }
0xbe: {  	[dreg:$0x1] =	wrdreg $0xFFFFFFFF  }
0xbf: {  	_ =	task.clear_ibuf [dreg:s5], $0x2FFFF;
	_ =	strace $0x9FFFFFFF  }
0xc0: {  	(tm) =	ssettm $0x7FFFFFFF  }
0xc1: {  	_ =	shalt  }
tec
execute0_lowered:
.L_overlay_start_1:
0x0: {  	(tag) =	ssettag $0x1  }
0x1: {  	s0 =	stileid.u32  }
0x2: {  	s4 =	sshrl.u32 s0, $0x3;
	s1 =	sshll.u32 s0, $0x7  }
0x3: {  	s2 =	rddreg [dreg:$0x0];
	s5 =	sand.u32 $0x380, s1;
	s6 =	sshll.u32 s4, $0xB  }
0x4: {  	s7 =	rddreg [dreg:$0x1];
	s6 =	sor.u32 s5, s6  }
0x5: {  	s3 =	simm.s32 $0x0;
	s9 =	simm.s32 $0x80;
	s6 =	sshrl.u32 s6, $0x3  }
0x6: {  	s10 =	simm.s32 $0x400;
	[smem:$0x7FF] =	sst s3;
	s8 =	sadd.s32 s6, s2  }
0x7: {  	s1 =	rddreg [dreg:$0x2];
	_ =	strace $0x80000047;
	s6 =	sadd.s32 $0x400, s8  }
0x8: {  	[tilespmem:s3], [sflag:$0x2] =	stream.strided.gather [hbm4b:s6+s9], $0x100, s10, s9, $0x38;
	[tilespmem:$0x680] =	vst v63  }
0x9: {  	s6 =	simm.s32 $0x2  }
0xa: {  	_ =	swait.ge [sflag:s6], $0x100  }
0xb: {  	[sflag:s6] =	ssyncset.done $0x0  }
0xc: {  	s12 =	simm.s32 $0x100;
	s11 =	sadd.s32 $0x600, s8;
	[sflag:s6] =	ssyncadd.s32 $0xFFFFFF00  }
0xd: {  	[tilespmem:s12], [sflag:$0x2] =	stream.strided.gather [hbm4b:s11+s9], $0x100, s10, s9, $0x38;
	[tilespmem:$0x680] =	vst v63  }
0xe: {  	_ =	swait.ge [sflag:s6], $0x100  }
0xf: {  	[sflag:s6] =	ssyncset.done $0x0  }
0x10: {  	s30 =	simm.s32 $0x200;
	s29 =	sadd.s32 $0x800, s8;
	[sflag:s6] =	ssyncadd.s32 $0xFFFFFF00  }
0x11: {  	[tilespmem:s30], [sflag:$0x2] =	stream.strided.gather [hbm4b:s29+s9], $0x100, s10, s9, $0x38;
	[tilespmem:$0x680] =	vst v63  }
0x12: {  	_ =	swait.ge [sflag:s6], $0x100  }
0x13: {  	[sflag:s6] =	ssyncset.done $0x0  }
0x14: {  	s31 =	simm.s32 $0x300;
	s8 =	sadd.s32 $0xA00, s8;
	[sflag:s6] =	ssyncadd.s32 $0xFFFFFF00  }
0x15: {  	[tilespmem:s31], [sflag:$0x2] =	stream.strided.gather [hbm4b:s8+s9], $0x100, s10, s9, $0x38;
	[tilespmem:$0x680] =	vst v63  }
0x16: {  	_ =	swait.ge [sflag:s6], $0x100  }
0x17: {  	[sflag:s6] =	ssyncset.done $0x0  }
0x18: {  	[sflag:s6] =	ssyncadd.s32 $0xFFFFFF00  }
0x19: {  	v0 =	vld [tilespmem:$0x0]  }
0x1a: {  	v1 =	vld [tilespmem:$0x100];
	_ =	sdelay $0x2  }
0x1b: {  	v2 =	vld [tilespmem:$0x200];
	_ =	sdelay $0x1  }
0x1c: {  	v3 =	vmul.u32 $0x180, v0;
	v4 =	vmul.u32 $0x3, v1;
	_ =	sdelay $0x1  }
0x1d: {  	vm0 =	vgt.s32 v0, $0x0;
	vm1 =	vgt.s32 v1, $0x0;
	v39 =	vadd.s32 v4, v3  }
0x1e: {  	v40 =	vld [tilespmem:$0x300];
	vm10 =	vlt.s32 v2, $0x3;
	vm0 =	vmand vm0, vm1;
	v0 =	vadd.s32 v2, v39  }
0x1f: {  	s9 =	smul.u32 $0xC000, s0;
	vm0 =	vmand vm0, vm10;
	v0 =	vadd.s32 $0xFFFFFE7D, v0  }
0x20: {  	v0 =	vnsel vm0, $0x0, v0  }
0x21: {  	v0 =	vadd.s32 s9, v0  }
0x22: {  	v2 =	vshll.u32 v2, $0x3  }
0x23: {  	v1 =	vadd.s32 v40, v2;
	_ =	sdelay $0x1  }
0x24: {  	s11 =	sadd.s32 $0x400A00, s2;
	vm0 =	vmmov $0xffff  }
0x25: {  	[tilespmem:s10], [sflag:$0x1] =	stream.indirect_vreg.gather [hbm4b:s11+s3], $0x1, v0, vm0, $0xb8;
	[tilespmem:$0x680] =	vst v63  }
0x26: {  	s12 =	simm.s32 $0x500  }
0x27: {  	[tilespmem:s12], [sflag:$0x1] =	stream.indirect_vreg.gather [hbm4b:s7+s3], $0x1, v1, vm0, $0xb8;
	[tilespmem:$0x680] =	vst v63  }
0x28: {  	v0 =	vld [tilespmem:$0x10]  }
0x29: {  	v1 =	vld [tilespmem:$0x110];
	_ =	sdelay $0x2  }
0x2a: {  	v41 =	vld [tilespmem:$0x210];
	_ =	sdelay $0x1  }
0x2b: {  	v42 =	vmul.u32 $0x180, v0;
	v43 =	vmul.u32 $0x3, v1;
	_ =	sdelay $0x1  }
0x2c: {  	vm11 =	vgt.s32 v0, $0x0;
	vm2 =	vgt.s32 v1, $0x0;
	v44 =	vadd.s32 v43, v42  }
0x2d: {  	v45 =	vld [tilespmem:$0x310];
	vm12 =	vlt.s32 v41, $0x3;
	vm1 =	vmand vm11, vm2;
	v0 =	vadd.s32 v41, v44  }
0x2e: {  	vm1 =	vmand vm1, vm12;
	v0 =	vadd.s32 $0xFFFFFE7D, v0  }
0x2f: {  	v0 =	vnsel vm1, $0x0, v0  }
0x30: {  	v0 =	vadd.s32 s9, v0  }
0x31: {  	v2 =	vshll.u32 v41, $0x3  }
0x32: {  	v1 =	vadd.s32 v45, v2;
	_ =	sdelay $0x1  }
0x33: {  	s13 =	simm.s32 $0x410  }
0x34: {  	[tilespmem:s13], [sflag:$0x1] =	stream.indirect_vreg.gather [hbm4b:s11+s3], $0x1, v0, vm0, $0xb8;
	[tilespmem:$0x680] =	vst v63  }
0x35: {  	s14 =	simm.s32 $0x510  }
0x36: {  	[tilespmem:s14], [sflag:$0x1] =	stream.indirect_vreg.gather [hbm4b:s7+s3], $0x1, v1, vm0, $0xb8;
	[tilespmem:$0x680] =	vst v63  }
0x37: {  	v0 =	vld [tilespmem:$0x20]  }
0x38: {  	v1 =	vld [tilespmem:$0x120];
	_ =	sdelay $0x2  }
0x39: {  	v46 =	vld [tilespmem:$0x220];
	_ =	sdelay $0x1  }
0x3a: {  	v47 =	vmul.u32 $0x180, v0;
	v48 =	vmul.u32 $0x3, v1;
	_ =	sdelay $0x1  }
0x3b: {  	vm13 =	vgt.s32 v0, $0x0;
	vm14 =	vgt.s32 v1, $0x0;
	v49 =	vadd.s32 v48, v47  }
0x3c: {  	v50 =	vld [tilespmem:$0x320];
	vm15 =	vlt.s32 v46, $0x3;
	vm1 =	vmand vm13, vm14;
	v0 =	vadd.s32 v46, v49  }
0x3d: {  	vm1 =	vmand vm1, vm15;
	v0 =	vadd.s32 $0xFFFFFE7D, v0  }
0x3e: {  	v0 =	vnsel vm1, $0x0, v0  }
0x3f: {  	v0 =	vadd.s32 s9, v0  }
0x40: {  	v2 =	vshll.u32 v46, $0x3  }
0x41: {  	v1 =	vadd.s32 v50, v2;
	_ =	sdelay $0x1  }
0x42: {  	s15 =	simm.s32 $0x420  }
0x43: {  	[tilespmem:s15], [sflag:$0x1] =	stream.indirect_vreg.gather [hbm4b:s11+s3], $0x1, v0, vm0, $0xb8;
	[tilespmem:$0x680] =	vst v63  }
0x44: {  	s16 =	simm.s32 $0x520  }
0x45: {  	[tilespmem:s16], [sflag:$0x1] =	stream.indirect_vreg.gather [hbm4b:s7+s3], $0x1, v1, vm0, $0xb8;
	[tilespmem:$0x680] =	vst v63  }
0x46: {  	v0 =	vld [tilespmem:$0x30]  }
0x47: {  	v1 =	vld [tilespmem:$0x130];
	_ =	sdelay $0x2  }
0x48: {  	v51 =	vld [tilespmem:$0x230];
	_ =	sdelay $0x1  }
0x49: {  	v52 =	vmul.u32 $0x180, v0;
	v53 =	vmul.u32 $0x3, v1;
	_ =	sdelay $0x1  }
0x4a: {  	vm4 =	vgt.s32 v0, $0x0;
	vm5 =	vgt.s32 v1, $0x0;
	v54 =	vadd.s32 v53, v52  }
0x4b: {  	v55 =	vld [tilespmem:$0x330];
	vm6 =	vlt.s32 v51, $0x3;
	vm1 =	vmand vm4, vm5;
	v0 =	vadd.s32 v51, v54  }
0x4c: {  	vm1 =	vmand vm1, vm6;
	v0 =	vadd.s32 $0xFFFFFE7D, v0  }
0x4d: {  	v0 =	vnsel vm1, $0x0, v0  }
0x4e: {  	v0 =	vadd.s32 s9, v0  }
0x4f: {  	v2 =	vshll.u32 v51, $0x3  }
0x50: {  	v1 =	vadd.s32 v55, v2;
	_ =	sdelay $0x1  }
0x51: {  	s17 =	simm.s32 $0x430  }
0x52: {  	[tilespmem:s17], [sflag:$0x1] =	stream.indirect_vreg.gather [hbm4b:s11+s3], $0x1, v0, vm0, $0xb8;
	[tilespmem:$0x680] =	vst v63  }
0x53: {  	s18 =	simm.s32 $0x530  }
0x54: {  	[tilespmem:s18], [sflag:$0x1] =	stream.indirect_vreg.gather [hbm4b:s7+s3], $0x1, v1, vm0, $0xb8;
	[tilespmem:$0x680] =	vst v63  }
0x55: {  	v0 =	vld [tilespmem:$0x40]  }
0x56: {  	v1 =	vld [tilespmem:$0x140];
	_ =	sdelay $0x2  }
0x57: {  	v56 =	vld [tilespmem:$0x240];
	_ =	sdelay $0x1  }
0x58: {  	v57 =	vmul.u32 $0x180, v0;
	v58 =	vmul.u32 $0x3, v1;
	_ =	sdelay $0x1  }
0x59: {  	vm7 =	vgt.s32 v0, $0x0;
	vm8 =	vgt.s32 v1, $0x0;
	v59 =	vadd.s32 v58, v57  }
0x5a: {  	v60 =	vld [tilespmem:$0x340];
	vm9 =	vlt.s32 v56, $0x3;
	vm1 =	vmand vm7, vm8;
	v0 =	vadd.s32 v56, v59  }
0x5b: {  	vm1 =	vmand vm1, vm9;
	v0 =	vadd.s32 $0xFFFFFE7D, v0  }
0x5c: {  	v0 =	vnsel vm1, $0x0, v0  }
0x5d: {  	v0 =	vadd.s32 s9, v0  }
0x5e: {  	v2 =	vshll.u32 v56, $0x3  }
0x5f: {  	v1 =	vadd.s32 v60, v2;
	_ =	sdelay $0x1  }
0x60: {  	s19 =	simm.s32 $0x440  }
0x61: {  	[tilespmem:s19], [sflag:$0x1] =	stream.indirect_vreg.gather [hbm4b:s11+s3], $0x1, v0, vm0, $0xb8;
	[tilespmem:$0x680] =	vst v63  }
0x62: {  	s20 =	simm.s32 $0x540  }
0x63: {  	[tilespmem:s20], [sflag:$0x1] =	stream.indirect_vreg.gather [hbm4b:s7+s3], $0x1, v1, vm0, $0xb8;
	[tilespmem:$0x680] =	vst v63  }
0x64: {  	v0 =	vld [tilespmem:$0x50]  }
0x65: {  	v1 =	vld [tilespmem:$0x150];
	_ =	sdelay $0x2  }
0x66: {  	v61 =	vld [tilespmem:$0x250];
	_ =	sdelay $0x1  }
0x67: {  	v62 =	vmul.u32 $0x180, v0;
	v63 =	vmul.u32 $0x3, v1;
	_ =	sdelay $0x1  }
0x68: {  	vm10 =	vgt.s32 v0, $0x0;
	vm11 =	vgt.s32 v1, $0x0;
	v7 =	vadd.s32 v63, v62  }
0x69: {  	v8 =	vld [tilespmem:$0x350];
	vm12 =	vlt.s32 v61, $0x3;
	vm1 =	vmand vm10, vm11;
	v0 =	vadd.s32 v61, v7  }
0x6a: {  	vm1 =	vmand vm1, vm12;
	v0 =	vadd.s32 $0xFFFFFE7D, v0  }
0x6b: {  	v0 =	vnsel vm1, $0x0, v0  }
0x6c: {  	v0 =	vadd.s32 s9, v0  }
0x6d: {  	v2 =	vshll.u32 v61, $0x3  }
0x6e: {  	v1 =	vadd.s32 v8, v2;
	_ =	sdelay $0x1  }
0x6f: {  	s21 =	simm.s32 $0x450  }
0x70: {  	[tilespmem:s21], [sflag:$0x1] =	stream.indirect_vreg.gather [hbm4b:s11+s3], $0x1, v0, vm0, $0xb8;
	[tilespmem:$0x680] =	vst v63  }
0x71: {  	s22 =	simm.s32 $0x550  }
0x72: {  	[tilespmem:s22], [sflag:$0x1] =	stream.indirect_vreg.gather [hbm4b:s7+s3], $0x1, v1, vm0, $0xb8;
	[tilespmem:$0x680] =	vst v63  }
0x73: {  	v0 =	vld [tilespmem:$0x60]  }
0x74: {  	v1 =	vld [tilespmem:$0x160];
	_ =	sdelay $0x2  }
0x75: {  	v9 =	vld [tilespmem:$0x260];
	_ =	sdelay $0x1  }
0x76: {  	v10 =	vmul.u32 $0x180, v0;
	v11 =	vmul.u32 $0x3, v1;
	_ =	sdelay $0x1  }
0x77: {  	vm13 =	vgt.s32 v0, $0x0;
	vm14 =	vgt.s32 v1, $0x0;
	v12 =	vadd.s32 v11, v10  }
0x78: {  	v13 =	vld [tilespmem:$0x360];
	vm15 =	vlt.s32 v9, $0x3;
	vm1 =	vmand vm13, vm14;
	v0 =	vadd.s32 v9, v12  }
0x79: {  	vm1 =	vmand vm1, vm15;
	v0 =	vadd.s32 $0xFFFFFE7D, v0  }
0x7a: {  	v0 =	vnsel vm1, $0x0, v0  }
0x7b: {  	v0 =	vadd.s32 s9, v0  }
0x7c: {  	v2 =	vshll.u32 v9, $0x3  }
0x7d: {  	v1 =	vadd.s32 v13, v2;
	_ =	sdelay $0x1  }
0x7e: {  	s23 =	simm.s32 $0x460  }
0x7f: {  	[tilespmem:s23], [sflag:$0x1] =	stream.indirect_vreg.gather [hbm4b:s11+s3], $0x1, v0, vm0, $0xb8;
	[tilespmem:$0x680] =	vst v63  }
0x80: {  	s24 =	simm.s32 $0x560  }
0x81: {  	[tilespmem:s24], [sflag:$0x1] =	stream.indirect_vreg.gather [hbm4b:s7+s3], $0x1, v1, vm0, $0xb8;
	[tilespmem:$0x680] =	vst v63  }
0x82: {  	v0 =	vld [tilespmem:$0x70]  }
0x83: {  	v1 =	vld [tilespmem:$0x170];
	_ =	sdelay $0x2  }
0x84: {  	v14 =	vld [tilespmem:$0x270];
	_ =	sdelay $0x1  }
0x85: {  	v15 =	vmul.u32 $0x180, v0;
	v16 =	vmul.u32 $0x3, v1;
	_ =	sdelay $0x1  }
0x86: {  	vm4 =	vgt.s32 v0, $0x0;
	vm5 =	vgt.s32 v1, $0x0;
	v17 =	vadd.s32 v16, v15  }
0x87: {  	v18 =	vld [tilespmem:$0x370];
	vm6 =	vlt.s32 v14, $0x3;
	vm1 =	vmand vm4, vm5;
	v0 =	vadd.s32 v14, v17  }
0x88: {  	vm1 =	vmand vm1, vm6;
	v0 =	vadd.s32 $0xFFFFFE7D, v0  }
0x89: {  	v0 =	vnsel vm1, $0x0, v0  }
0x8a: {  	v0 =	vadd.s32 s9, v0  }
0x8b: {  	v2 =	vshll.u32 v14, $0x3  }
0x8c: {  	v1 =	vadd.s32 v18, v2;
	_ =	sdelay $0x1  }
0x8d: {  	s25 =	simm.s32 $0x470  }
0x8e: {  	[tilespmem:s25], [sflag:$0x1] =	stream.indirect_vreg.gather [hbm4b:s11+s3], $0x1, v0, vm0, $0xb8;
	[tilespmem:$0x680] =	vst v63  }
0x8f: {  	s26 =	simm.s32 $0x570  }
0x90: {  	[tilespmem:s26], [sflag:$0x1] =	stream.indirect_vreg.gather [hbm4b:s7+s3], $0x1, v1, vm0, $0xb8;
	[tilespmem:$0x680] =	vst v63  }
0x91: {  	v0 =	vld [tilespmem:$0x80]  }
0x92: {  	v1 =	vld [tilespmem:$0x180];
	_ =	sdelay $0x1  }
0x93: {  	v19 =	vld [tilespmem:$0x280];
	_ =	sdelay $0x2  }
0x94: {  	v20 =	vmul.u32 $0x180, v0;
	v21 =	vmul.u32 $0x3, v1  }
0x95: {  	vm7 =	vgt.s32 v0, $0x0;
	vm8 =	vgt.s32 v1, $0x0  }
0x96: {  	v22 =	vld [tilespmem:$0x380];
	vm9 =	vlt.s32 v19, $0x3;
	vm1 =	vmand vm7, vm8;
	v23 =	vadd.s32 v21, v20  }
0x97: {  	vm2 =	vmand vm1, vm9;
	vm1 =	vmmov $0xfff;
	v1 =	vadd.s32 v19, v23  }
0x98: {  	vm2 =	vmand vm2, vm1;
	v1 =	vadd.s32 $0xFFFFFE7D, v1  }
0x99: {  	v1 =	vnsel vm2, $0x0, v1  }
0x9a: {  	v2 =	vshll.u32 v19, $0x3;
	v1 =	vadd.s32 s9, v1  }
0x9b: {  	v0 =	vadd.s32 v22, v2;
	vm2 =	vmmov $0x7ff  }
0x9c: {  	v0 =	vnsel vm2, $0x0, v0;
	_ =	sdelay $0x1  }
0x9d: {  	s28 =	simm.s32 $0x480  }
0x9e: {  	[tilespmem:s28], [sflag:$0x1] =	stream.indirect_vreg.gather [hbm4b:s11+s3], $0x1, v1, vm0, $0xb8;
	[tilespmem:$0x680] =	vst v63  }
0x9f: {  	s29 =	simm.s32 $0x580;
	s30 =	simm.s32 $0x1  }
0xa0: {  	[tilespmem:s29], [sflag:$0x1] =	stream.indirect_vreg.gather [hbm4b:s7+s3], $0x1, v0, vm0, $0xb8;
	[tilespmem:$0x680] =	vst v63  }
0xa1: {  	_ =	swait.ge [sflag:s30], $0x10  }
0xa2: {  	[sflag:s30] =	ssyncset.done $0x0  }
0xa3: {  	[sflag:s30] =	ssyncadd.s32 $0xFFFFFFF0  }
0xa4: {  	_ =	swait.ge [sflag:s30], $0x10  }
0xa5: {  	[sflag:s30] =	ssyncset.done $0x0  }
0xa6: {  	[sflag:s30] =	ssyncadd.s32 $0xFFFFFFF0  }
0xa7: {  	_ =	swait.ge [sflag:s30], $0x10  }
0xa8: {  	[sflag:s30] =	ssyncset.done $0x0  }
0xa9: {  	[sflag:s30] =	ssyncadd.s32 $0xFFFFFFF0  }
0xaa: {  	_ =	swait.ge [sflag:s30], $0x10  }
0xab: {  	[sflag:s30] =	ssyncset.done $0x0  }
0xac: {  	[sflag:s30] =	ssyncadd.s32 $0xFFFFFFF0  }
0xad: {  	_ =	swait.ge [sflag:s30], $0x10  }
0xae: {  	[sflag:s30] =	ssyncset.done $0x0  }
0xaf: {  	[sflag:s30] =	ssyncadd.s32 $0xFFFFFFF0  }
0xb0: {  	_ =	swait.ge [sflag:s30], $0x10  }
0xb1: {  	[sflag:s30] =	ssyncset.done $0x0  }
0xb2: {  	[sflag:s30] =	ssyncadd.s32 $0xFFFFFFF0  }
0xb3: {  	_ =	swait.ge [sflag:s30], $0x10  }
0xb4: {  	[sflag:s30] =	ssyncset.done $0x0  }
0xb5: {  	[sflag:s30] =	ssyncadd.s32 $0xFFFFFFF0  }
0xb6: {  	_ =	swait.ge [sflag:s30], $0x10  }
0xb7: {  	[sflag:s30] =	ssyncset.done $0x0  }
0xb8: {  	[sflag:s30] =	ssyncadd.s32 $0xFFFFFFF0  }
0xb9: {  	_ =	swait.ge [sflag:s30], $0x10  }
0xba: {  	[sflag:s30] =	ssyncset.done $0x0  }
0xbb: {  	[sflag:s30] =	ssyncadd.s32 $0xFFFFFFF0  }
0xbc: {  	_ =	swait.ge [sflag:s30], $0x10  }
0xbd: {  	[sflag:s30] =	ssyncset.done $0x0  }
0xbe: {  	[sflag:s30] =	ssyncadd.s32 $0xFFFFFFF0  }
0xbf: {  	_ =	swait.ge [sflag:s30], $0x10  }
0xc0: {  	[sflag:s30] =	ssyncset.done $0x0  }
0xc1: {  	[sflag:s30] =	ssyncadd.s32 $0xFFFFFFF0  }
0xc2: {  	_ =	swait.ge [sflag:s30], $0x10  }
0xc3: {  	[sflag:s30] =	ssyncset.done $0x0  }
0xc4: {  	[sflag:s30] =	ssyncadd.s32 $0xFFFFFFF0  }
0xc5: {  	_ =	swait.ge [sflag:s30], $0x10  }
0xc6: {  	[sflag:s30] =	ssyncset.done $0x0  }
0xc7: {  	[sflag:s30] =	ssyncadd.s32 $0xFFFFFFF0  }
0xc8: {  	_ =	swait.ge [sflag:s30], $0x10  }
0xc9: {  	[sflag:s30] =	ssyncset.done $0x0  }
0xca: {  	[sflag:s30] =	ssyncadd.s32 $0xFFFFFFF0  }
0xcb: {  	_ =	swait.ge [sflag:s30], $0x10  }
0xcc: {  	[sflag:s30] =	ssyncset.done $0x0  }
0xcd: {  	[sflag:s30] =	ssyncadd.s32 $0xFFFFFFF0  }
0xce: {  	_ =	swait.ge [sflag:s30], $0x10  }
0xcf: {  	[sflag:s30] =	ssyncset.done $0x0  }
0xd0: {  	[sflag:s30] =	ssyncadd.s32 $0xFFFFFFF0  }
0xd1: {  	_ =	swait.ge [sflag:s30], $0x10  }
0xd2: {  	[sflag:s30] =	ssyncset.done $0x0  }
0xd3: {  	[sflag:s30] =	ssyncadd.s32 $0xFFFFFFF0  }
0xd4: {  	_ =	swait.ge [sflag:s30], $0x10  }
0xd5: {  	[sflag:s30] =	ssyncset.done $0x0  }
0xd6: {  	[sflag:s30] =	ssyncadd.s32 $0xFFFFFFF0  }
0xd7: {  	v24 =	vld [tilespmem:$0x0]  }
0xd8: {  	v25 =	vld [tilespmem:$0x100]  }
0xd9: {  	v26 =	vld [tilespmem:$0x200]  }
0xda: {  	v27 =	vld [tilespmem:$0x400]  }
0xdb: {  	v28 =	vld [tilespmem:$0x500]  }
0xdc: {  	v5 =	vld [tilespmem:$0x10]  }
0xdd: {  	v6 =	vld [tilespmem:$0x110]  }
0xde: {  	v7 =	vld [tilespmem:$0x210]  }
0xdf: {  	v8 =	vld [tilespmem:$0x410]  }
0xe0: {  	v9 =	vld [tilespmem:$0x510]  }
0xe1: {  	v10 =	vld [tilespmem:$0x20]  }
0xe2: {  	v11 =	vld [tilespmem:$0x120]  }
0xe3: {  	v12 =	vld [tilespmem:$0x220]  }
0xe4: {  	v13 =	vld [tilespmem:$0x420]  }
0xe5: {  	v14 =	vld [tilespmem:$0x520]  }
0xe6: {  	v15 =	vld [tilespmem:$0x30]  }
0xe7: {  	v29 =	vld [tilespmem:$0x130];
	vm10 =	vgt.s32 v24, $0x0;
	vm3 =	vgt.s32 v25, $0x0  }
0xe8: {  	v31 =	vld [tilespmem:$0x230];
	vm11 =	vlt.s32 v26, $0x3;
	v30 =	vadd.f32 $0.0e+00, v27;
	vm0 =	vmand vm10, vm3  }
0xe9: {  	v32 =	vld [tilespmem:$0x430];
	vm12 =	vgt.s32 v5, $0x0;
	vm4 =	vgt.s32 v6, $0x0;
	vm0 =	vmand vm0, vm11  }
0xea: {  	v33 =	vld [tilespmem:$0x530];
	vm14 =	vlt.s32 v7, $0x3;
	vm13 =	vmand vm12, vm4;
	v1 =	vnsel vm0, $0x0, v30  }
0xeb: {  	v34 =	vld [tilespmem:$0x40];
	vm0 =	vmand vm13, vm14;
	v1 =	vadd.f32 v1, v28  }
0xec: {  	v36 =	vld [tilespmem:$0x140];
	v35 =	vnsel vm0, $0x0, v8  }
0xed: {  	v37 =	vld [tilespmem:$0x240];
	vm15 =	vgt.s32 v10, $0x0;
	vm6 =	vgt.s32 v11, $0x0;
	v1 =	vadd.f32 v35, v1  }
0xee: {  	v38 =	vld [tilespmem:$0x440];
	vm7 =	vlt.s32 v12, $0x3;
	vm0 =	vmand vm15, vm6  }
0xef: {  	v39 =	vld [tilespmem:$0x540];
	vm0 =	vmand vm0, vm7;
	v1 =	vadd.f32 v1, v9  }
0xf0: {  	v41 =	vld [tilespmem:$0x50];
	v40 =	vnsel vm0, $0x0, v13  }
0xf1: {  	v42 =	vld [tilespmem:$0x150];
	vm8 =	vgt.s32 v15, $0x0;
	vm9 =	vgt.s32 v29, $0x0;
	v1 =	vadd.f32 v40, v1  }
0xf2: {  	v43 =	vld [tilespmem:$0x250];
	vm10 =	vlt.s32 v31, $0x3;
	vm0 =	vmand vm8, vm9  }
0xf3: {  	v44 =	vld [tilespmem:$0x450];
	vm0 =	vmand vm0, vm10;
	v1 =	vadd.f32 v1, v14  }
0xf4: {  	v45 =	vld [tilespmem:$0x550];
	v3 =	vnsel vm0, $0x0, v32  }
0xf5: {  	v46 =	vld [tilespmem:$0x60];
	vm12 =	vgt.s32 v36, $0x0;
	vm11 =	vgt.s32 v34, $0x0;
	v1 =	vadd.f32 v3, v1  }
0xf6: {  	v47 =	vld [tilespmem:$0x160];
	vm13 =	vlt.s32 v37, $0x3;
	vm0 =	vmand vm11, vm12  }
0xf7: {  	v48 =	vld [tilespmem:$0x260];
	vm0 =	vmand vm0, vm13;
	v1 =	vadd.f32 v1, v33  }
0xf8: {  	v50 =	vld [tilespmem:$0x460];
	v49 =	vnsel vm0, $0x0, v38  }
0xf9: {  	v51 =	vld [tilespmem:$0x560];
	vm14 =	vgt.s32 v41, $0x0;
	vm15 =	vgt.s32 v42, $0x0;
	v1 =	vadd.f32 v49, v1  }
0xfa: {  	v52 =	vld [tilespmem:$0x70];
	vm6 =	vlt.s32 v43, $0x3;
	vm0 =	vmand vm14, vm15  }
0xfb: {  	v53 =	vld [tilespmem:$0x170];
	vm0 =	vmand vm0, vm6;
	v1 =	vadd.f32 v1, v39  }
0xfc: {  	v55 =	vld [tilespmem:$0x270];
	v54 =	vnsel vm0, $0x0, v44  }
0xfd: {  	v56 =	vld [tilespmem:$0x470];
	vm7 =	vgt.s32 v46, $0x0;
	vm8 =	vgt.s32 v47, $0x0;
	v1 =	vadd.f32 v54, v1  }
0xfe: {  	v57 =	vld [tilespmem:$0x80];
	vm9 =	vlt.s32 v48, $0x3;
	vm0 =	vmand vm7, vm8  }
0xff: {  	v58 =	vld [tilespmem:$0x180];
	vm0 =	vmand vm0, vm9;
	v1 =	vadd.f32 v1, v45  }
0x100: {  	v59 =	vld [tilespmem:$0x280];
	v7 =	vnsel vm0, $0x0, v50  }
0x101: {  	vm10 =	vgt.s32 v52, $0x0;
	vm11 =	vgt.s32 v53, $0x0;
	v1 =	vadd.f32 v7, v1  }
0x102: {  	v60 =	vld [tilespmem:$0x570];
	vm12 =	vlt.s32 v55, $0x3;
	vm0 =	vmand vm10, vm11  }
0x103: {  	v61 =	vld [tilespmem:$0x480];
	vm0 =	vmand vm0, vm12;
	v0 =	vadd.f32 v1, v51  }
0x104: {  	vm13 =	vgt.s32 v57, $0x0;
	vm14 =	vgt.s32 v58, $0x0;
	v3 =	vnsel vm0, $0x0, v56  }
0x105: {  	v62 =	vld [tilespmem:$0x580];
	vm15 =	vlt.s32 v59, $0x3;
	vm0 =	vmand vm13, vm14;
	v0 =	vadd.f32 v3, v0  }
0x106: {  	vm0 =	vmand vm0, vm15  }
0x107: {  	vm0 =	vmand vm0, vm1;
	v0 =	vadd.f32 v0, v60  }
0x108: {  	v1 =	vnsel vm0, $0x0, v61  }
0x109: {  	s4 =	sshll.u32 s4, $0xA;
	v0 =	vadd.f32 v1, v0  }
0x10a: {  	s4 =	sor.u32 s5, s4;
	v63 =	vnsel vm2, $0x0, v62  }
0x10b: {  	s4 =	sshrl.u32 s4, $0x3;
	v0 =	vadd.f32 v0, v63  }
0x10c: {  	s2 =	sadd.s32 s4, s2  }
0x10d: {  	s2 =	sadd.s32 $0xC00, s2;
	s31 =	simm.s32 $0x600;
	[tilespmem:$0x600] =	vst v0  }
0x10e: {  	[hbm4b:s2+s3] =	stream.linear.scatter [tilespmem:s31], [sflag:$0x2], $0x80, $0x38;
	[tilespmem:$0x680] =	vst v63  }
0x10f: {  	_ =	swait.ge [sflag:s6], $0x80  }
0x110: {  	[sflag:s6] =	ssyncset.done $0x0  }
0x111: {  	[sflag:s6] =	ssyncadd.s32 $0xFFFFFF80  }
0x112: {  	_ =	sfence.sel $0x180000  }
0x113: {  	[bflag:$0x0] =	sbarrier.arrive $0xFFFF  }
0x114: {  	p0 =	sne.s32 s0, $0x0;
	_ =	strace $0x90000047  }
0x115: {  	s0 =	sadd.s32 @!p0 $0x100000, s1;
	[bflag:$0x2] =	sbarrier.arrive $0xFFFF  }
0x116: {  	[sflag:s0] =	ssyncadd.tile.s32 @!p0 $0x1;
	_ =	shalt  }
.Lfunc_end2:
_tile_overlayer_lowered:
.L_overlay_start_2:
0x117: {  	(tag) =	ssettag $0x2  }
0x118: {  	s0 =	rddreg [dreg:$0x0];
	s2 =	stileid.u32  }
0x119: {  	s1 =	rddreg [dreg:$0x1];
	p0 =	sne.s32 s2, $0x0  }
0x11a: {  	s3 =	rddreg [dreg:$0x2];
	[bflag:$0x3] =	sbarrier.arrive $0xFFFF;
	s2 =	simm.s32 @!p0 $0x1C02  }
0x11b: {  	[timem:s3], [sflag:s2] =	dma.local @!p0 [hbm:s0], s1  }
0x11c: {  	s0 =	simm.s32 @!p0 $0x2  }
0x11d: {  	_ =	swait.ge @!p0 [sflag:s0], s1  }
0x11e: {  	s1 =	ssub.s32 @!p0 $0x0, s1;
	[sflag:s0] =	ssyncset.done @!p0 $0x0  }
0x11f: {  	[sflag:s0] =	ssyncadd.s32 @!p0 s1  }
0x120: {  	[bflag:$0x3] =	sbarrier.arrive $0xFFFF  }
0x121: {  	_ =	shalt  }

</sc_bundles>
